<compile_context>
chip_gen: v7x
topology: tpu7x:2x2x1
jax: 0.10.2.dev20260603
libtpu: 0.0.44.dev20260713+nightly
codegen_flags: <defaults>
</compile_context>

<pallas_src>
import functools

import jax
import jax.numpy as jnp
from jax import lax
from jax.experimental import pallas as pl
from jax.experimental.pallas import tpu as pltpu
from jax.experimental.pallas import tpu_sc as plsc

N_NODES = 10000
D_NODE = 128
D_LAT = 64
H_DIM = 512
N_OUT = 128
N_EDGES = 320000

NC, NS = 2, 16
NW = NC * NS
B = 128
NB = 80
NBT = NC * NS * NB
EPAD = NBT * B
NB0 = 112
NB1 = 48
NBMAX = max(NB0, NB1)
NBUF = 4
LEAD = NBUF // 2
NPAD = 10240
RPT = NPAD // NS
RB = 1000
GRID = N_NODES // RB

_INTERPRET = False

_mesh = plsc.VectorSubcoreMesh(core_axis_name="c", subcore_axis_name="s",
                               num_cores=NC, num_subcores=NS)
_sc_params = pltpu.CompilerParams(needs_layout_passes=False,
                                  use_tc_tiling_on_sc=False)


@functools.partial(
    pl.kernel,
    out_type=jax.ShapeDtypeStruct((NW, NPAD), jnp.float32),
    mesh=_mesh,
    scratch_types=[
        pltpu.VMEM((NB, B), jnp.int32),
        pltpu.VMEM((NPAD,), jnp.float32),
    ],
    compiler_params=_sc_params,
    interpret=_INTERPRET,
)
def _deg_kernel(dst_hbm, out_hbm, dst_v, hist_v):
    cid = lax.axis_index("c")
    sid = lax.axis_index("s")
    wid = cid * NS + sid
    pltpu.sync_copy(dst_hbm.at[pl.ds(wid * NB, NB)], dst_v)
    zero16 = jnp.zeros((16,), jnp.float32)

    @pl.loop(0, NPAD, step=16)
    def _(i):
        hist_v[pl.ds(i, 16)] = zero16

    ones16 = jnp.ones((16,), jnp.float32)

    @pl.loop(0, NB)
    def _(b):
        @pl.loop(0, B, step=16)
        def _(k):
            idx = dst_v[b, pl.ds(k, 16)]
            plsc.addupdate_scatter(hist_v, [idx], ones16)

    pltpu.sync_copy(hist_v, out_hbm.at[wid])


@functools.partial(
    pl.kernel,
    out_type=jax.ShapeDtypeStruct((NC, NPAD, D_LAT), jnp.float32),
    mesh=_mesh,
    scratch_types=[
        pltpu.VMEM((NBMAX, B), jnp.int32),
        pltpu.VMEM((NBMAX, B), jnp.int32),
    ] + [pltpu.VMEM((B, D_LAT), jnp.float32)] * NBUF + [
        pltpu.VMEM_SHARED((NPAD, D_LAT), jnp.float32),
    ] + [pltpu.SemaphoreType.DMA] * (2 * NBUF),
    compiler_params=_sc_params,
    interpret=_INTERPRET,
)
def _scatter_kernel(src_hbm, dst_hbm, hs_hbm, out_hbm,
                    src_v, dst_v, *rest):
    bufs = rest[:NBUF]
    agg_sh = rest[NBUF]
    gsems = rest[NBUF + 1:2 * NBUF + 1]
    ssems = rest[2 * NBUF + 1:3 * NBUF + 1]
    cid = lax.axis_index("c")
    sid = lax.axis_index("s")

    def edge_pipeline(nb, base):
        pltpu.sync_copy(src_hbm.at[pl.ds(base, nb)],
                        src_v.at[pl.ds(0, nb)])
        pltpu.sync_copy(dst_hbm.at[pl.ds(base, nb)],
                        dst_v.at[pl.ds(0, nb)])
        for j in range(LEAD):
            pltpu.async_copy(hs_hbm.at[src_v.at[j]], bufs[j], gsems[j])

        @pl.loop(0, nb, step=NBUF)
        def _(b):
            for j in range(NBUF):
                bj = b + j
                pltpu.make_async_copy(
                    hs_hbm.at[src_v.at[bj]], bufs[j], gsems[j]).wait()
                pltpu.async_copy(bufs[j], agg_sh.at[dst_v.at[bj]],
                                 ssems[j], add=True)
                jp = (j - LEAD) % NBUF

                @pl.when(bj >= LEAD)
                def _():
                    pltpu.make_async_copy(
                        bufs[jp], agg_sh.at[dst_v.at[bj - LEAD]],
                        ssems[jp]).wait()

                @pl.when(bj + LEAD < nb)
                def _():
                    pltpu.async_copy(
                        hs_hbm.at[src_v.at[bj + LEAD]], bufs[jp],
                        gsems[jp])

        for j in range(LEAD):
            bj = nb - LEAD + j
            pltpu.make_async_copy(
                bufs[bj % NBUF], agg_sh.at[dst_v.at[bj]],
                ssems[bj % NBUF]).wait()

    zb = bufs[0]
    zero16 = jnp.zeros((16,), jnp.float32)

    @pl.loop(0, B)
    def _(r):
        @pl.loop(0, D_LAT, step=16)
        def _(c):
            zb[r, pl.ds(c, 16)] = zero16

    for k in range(RPT // B):
        pltpu.sync_copy(zb, agg_sh.at[pl.ds(sid * RPT + k * B, B)])
    plsc.subcore_barrier()

    @pl.when(cid == 0)
    def _():
        edge_pipeline(NB0, sid * NB0)

    @pl.when(cid == 1)
    def _():
        edge_pipeline(NB1, NS * NB0 + sid * NB1)

    plsc.subcore_barrier()
    nwb = RPT // B

    def rd(k):
        return agg_sh.at[pl.ds(sid * RPT + k * B, B)]

    def wr(k):
        return out_hbm.at[cid, pl.ds(sid * RPT + k * B, B)]

    for k in range(min(NBUF, nwb)):
        pltpu.async_copy(rd(k), bufs[k], gsems[k])
    for k in range(nwb):
        slot = k % NBUF
        pltpu.make_async_copy(rd(k), bufs[slot], gsems[slot]).wait()
        pltpu.async_copy(bufs[slot], wr(k), ssems[slot])
        if k + NBUF < nwb:
            pltpu.make_async_copy(bufs[slot], wr(k), ssems[slot]).wait()
            pltpu.async_copy(rd(k + NBUF), bufs[slot], gsems[slot])
    for k in range(max(0, nwb - NBUF), nwb):
        slot = k % NBUF
        pltpu.make_async_copy(bufs[slot], wr(k), ssems[slot]).wait()


def _mm_body(x_ref, w_ref, o_ref):
    o_ref[...] = jnp.dot(x_ref[...], w_ref[...],
                         preferred_element_type=jnp.float32)


_mm_call = pl.pallas_call(
    _mm_body,
    grid=(GRID,),
    in_specs=[
        pl.BlockSpec((RB, D_NODE), lambda i: (i, 0)),
        pl.BlockSpec((D_NODE, D_LAT), lambda i: (0, 0)),
    ],
    out_specs=pl.BlockSpec((RB, D_LAT), lambda i: (i, 0)),
    out_shape=jax.ShapeDtypeStruct((N_NODES, D_LAT), jnp.float32),
    interpret=_INTERPRET,
)


def _scale_body(h_ref, degT_ref, o_ref):
    deg = jnp.sum(degT_ref[...], axis=1, keepdims=True) + 1.0
    dinv = lax.rsqrt(deg)
    o_ref[...] = h_ref[...] * dinv


_scale_call = pl.pallas_call(
    _scale_body,
    grid=(GRID,),
    in_specs=[
        pl.BlockSpec((RB, D_LAT), lambda i: (i, 0)),
        pl.BlockSpec((RB, NW), lambda i: (i, 0)),
    ],
    out_specs=pl.BlockSpec((RB, D_LAT), lambda i: (i, 0)),
    out_shape=jax.ShapeDtypeStruct((N_NODES, D_LAT), jnp.float32),
    interpret=_INTERPRET,
)


def _mlp_body(aggp_ref, hs_ref, degT_ref, bgcn_ref, W1_ref, b1_ref,
              W2_ref, b2_ref, o_ref):
    deg = jnp.sum(degT_ref[...], axis=1, keepdims=True) + 1.0
    dinv = lax.rsqrt(deg)
    g = dinv * (aggp_ref[0] + aggp_ref[1] + hs_ref[...]) + bgcn_ref[...]
    W1s = W1_ref[pl.ds(0, D_LAT), :]
    for k in range(1, H_DIM // D_LAT):
        W1s = W1s + W1_ref[pl.ds(k * D_LAT, D_LAT), :]
    hh = jnp.dot(g, W1s, preferred_element_type=jnp.float32) + b1_ref[...]
    hh = jnp.maximum(hh, 0.0)
    o_ref[...] = jnp.dot(hh, W2_ref[...],
                         preferred_element_type=jnp.float32) + b2_ref[...]


_mlp_call = pl.pallas_call(
    _mlp_body,
    grid=(GRID,),
    in_specs=[
        pl.BlockSpec((NC, RB, D_LAT), lambda i: (0, i, 0)),
        pl.BlockSpec((RB, D_LAT), lambda i: (i, 0)),
        pl.BlockSpec((RB, NW), lambda i: (i, 0)),
        pl.BlockSpec((1, D_LAT), lambda i: (0, 0)),
        pl.BlockSpec((H_DIM, H_DIM), lambda i: (0, 0)),
        pl.BlockSpec((1, H_DIM), lambda i: (0, 0)),
        pl.BlockSpec((H_DIM, N_OUT), lambda i: (0, 0)),
        pl.BlockSpec((1, N_OUT), lambda i: (0, 0)),
    ],
    out_specs=pl.BlockSpec((RB, N_OUT), lambda i: (i, 0)),
    out_shape=jax.ShapeDtypeStruct((N_NODES, N_OUT), jnp.float32),
    interpret=_INTERPRET,
)


def kernel(x, edge_index, edge_attr, g_edge, v_edge, W_gcn, b_gcn,
           W1, b1, W2, b2):
    src = edge_index[0].astype(jnp.int32)
    dst = edge_index[1].astype(jnp.int32)
    pad = EPAD - N_EDGES
    pad_dst = N_NODES + (jnp.arange(pad, dtype=jnp.int32) % (NPAD - N_NODES))
    src_r = jnp.concatenate(
        [src, jnp.zeros((pad,), jnp.int32)]).reshape(NBT, B)
    dst_r = jnp.concatenate([dst, pad_dst]).reshape(NBT, B)
    degp = _deg_kernel(dst_r)
    degT = degp.T
    h = _mm_call(x, W_gcn)
    hs = _scale_call(h, degT)
    aggp = _scatter_kernel(src_r, dst_r, hs)
    y = _mlp_call(aggp, hs, degT,
                  b_gcn.reshape(1, D_LAT), W1,
                  b1.reshape(1, H_DIM), W2, b2.reshape(1, N_OUT))
    return y

# --- scband reference (transcript-rebuilt; emitter-appended) ---
"""Pipeline reference for scband-latent-graph-26886495273564 (READ-ONLY COPY).

The authoritative reference and input builder live on the scoring server;
editing this copy changes nothing except your own understanding.
"""

import jax, jax.numpy as jnp
import numpy as np

N_NODES = 10000
N_EDGES = 320000
D_NODE = 128
D_EDGE = 16
N_LAT_EDGES = 8
N_LAT_NODES = 64
N_OUT = 128
EPS = 1e-05


def setup_inputs(seed: int = 0) -> dict:
    key = jax.random.key(seed)
    ks = jax.random.split(key, 12)
    x = jax.random.normal(ks[0], (N_NODES, D_NODE), dtype=jnp.float32)
    edge_index = jax.random.randint(ks[1], (2, N_EDGES), 0, N_NODES, dtype=jnp.int64 if jax.config.jax_enable_x64 else jnp.int32)
    edge_attr = jax.random.normal(ks[2], (N_EDGES, D_EDGE), dtype=jnp.float32)
    # weight_norm linear: v [n_latent_edges, n_in_edge_props], g [n_latent_edges]
    v_edge = jax.random.normal(ks[3], (N_LAT_EDGES, D_EDGE), dtype=jnp.float32) * 0.1
    g_edge = jnp.linalg.norm(v_edge, axis=1)
    # GCNConv params
    W_gcn = jax.random.normal(ks[4], (D_NODE, N_LAT_NODES), dtype=jnp.float32) * 0.05
    b_gcn = jnp.zeros((N_LAT_NODES,), dtype=jnp.float32)
    # fc_node_prop MLP
    H = N_LAT_EDGES * N_LAT_NODES
    W1 = jax.random.normal(ks[5], (H, H), dtype=jnp.float32) * 0.02
    b1 = jnp.zeros((H,), dtype=jnp.float32)
    W2 = jax.random.normal(ks[6], (H, N_OUT), dtype=jnp.float32) * 0.02
    b2 = jnp.zeros((N_OUT,), dtype=jnp.float32)
    return {"x": x, "edge_index": edge_index, "edge_attr": edge_attr,
            "g_edge": g_edge, "v_edge": v_edge, "W_gcn": W_gcn, "b_gcn": b_gcn,
            "W1": W1, "b1": b1, "W2": W2, "b2": b2}


def _gcn_conv(x, edge_index, W, b, num_nodes):
    src = edge_index[0]
    dst = edge_index[1]
    loop = jnp.arange(num_nodes, dtype=src.dtype)
    src2 = jnp.concatenate([src, loop])
    dst2 = jnp.concatenate([dst, loop])
    deg = jnp.zeros((num_nodes,), dtype=x.dtype).at[dst2].add(1.0)
    dinv = jnp.where(deg > 0, jax.lax.rsqrt(jnp.maximum(deg, 1e-12)), 0.0)
    norm = dinv[src2] * dinv[dst2]
    h = x @ W
    msg = h[src2] * norm[:, None]
    out = jnp.zeros((num_nodes, W.shape[1]), dtype=x.dtype).at[dst2].add(msg)
    return out + b


def reference(x, edge_index, edge_attr, g_edge, v_edge, W_gcn, b_gcn, W1, b1, W2, b2):
    # fc_edge_latent: weight-normed linear (no bias)
    v_norm = jnp.linalg.norm(v_edge, axis=1, keepdims=True)
    w_eff = g_edge[:, None] * v_edge / jnp.maximum(v_norm, 1e-12)
    edge_props = edge_attr @ w_eff.T
    edge_props = edge_props + EPS * jnp.ones_like(edge_props)
    # loop over latent-edge columns: each iteration runs the same GCNConv on (x, edge_index)
    g_conv_out = _gcn_conv(x, edge_index, W_gcn, b_gcn, N_NODES)
    collection = [g_conv_out for _ in range(edge_props.shape[1])]
    graph_step_ = jnp.concatenate(collection, axis=1)
    h = graph_step_ @ W1 + b1
    h = jax.nn.relu(h)
    y = h @ W2 + b2
    return y

if __name__ == "__main__":
    import jax
    _d = setup_inputs()
    print(jax.jit(kernel)(*tuple(_d.values())))

</pallas_src>

<mosaic_0001>
#map = affine_map<(d0, d1) -> (0, 0)>
module attributes {stable_mosaic.version = 14 : i64} {
  func.func @_deg_kernel(%arg0: i32, %arg1: i32, %arg2: memref<2560x128xi32, #tpu.memory_space<hbm>>, %arg3: memref<32x10240xf32, #tpu.memory_space<hbm>>, %arg4: memref<80x128xi32, #tpu.memory_space<vmem>>, %arg5: memref<10240xf32, #tpu.memory_space<vmem>>) attributes {dimension_semantics = [#tpu.dimension_semantics<core_parallel>, #tpu.dimension_semantics<subcore_parallel>], iteration_bounds = array<i64: 2, 16>, scalar_prefetch = 0 : i64, scratch_operands = 2 : i64, tpu.core_type = #tpu.core_type<sc_vector_subcore>, window_params = [{transform_indices = #map}, {transform_indices = #map}]} {
    %mul3A = arith.constant 16 : i32
    %mul3A_0 = arith.muli %arg0, %mul3A : i32
    %add3A = arith.addi %mul3A_0, %arg1 : i32
    %mul3A_1 = arith.constant 80 : i32
    %mul3A_2 = arith.muli %add3A, %mul3A_1 : i32
    "tpu.region"() ({
      %run_scoped3A = tpu.sem_alloc : memref<!tpu.dma_semaphore, #tpu.memory_space<semaphore_mem>>
      %dma_start3A = arith.constant 0 : i32
      %dma_start3A_15 = tpu.memref_slice %arg2[%mul3A_2, %dma_start3A] : memref<2560x128xi32, #tpu.memory_space<hbm>> -> memref<80x128xi32, #tpu.memory_space<hbm>>
      %dma_start3A_16 = arith.constant 0 : i32
      %dma_start3A_17 = tpu.memref_slice %arg2[%mul3A_2, %dma_start3A_16] : memref<2560x128xi32, #tpu.memory_space<hbm>> -> memref<80x128xi32, #tpu.memory_space<hbm>>
      tpu.enqueue_dma source(%dma_start3A_17 : memref<80x128xi32, #tpu.memory_space<hbm>>) target(%arg4 : memref<80x128xi32, #tpu.memory_space<vmem>>) target_semaphore(%run_scoped3A : memref<!tpu.dma_semaphore, #tpu.memory_space<semaphore_mem>>)
      %dma_wait3A = arith.constant 0 : i32
      %dma_wait3A_18 = tpu.memref_slice %arg2[%mul3A_2, %dma_wait3A] : memref<2560x128xi32, #tpu.memory_space<hbm>> -> memref<80x128xi32, #tpu.memory_space<hbm>>
      %dma_wait3A_19 = arith.constant 0 : i32
      %dma_wait3A_20 = tpu.memref_slice %arg2[%mul3A_2, %dma_wait3A_19] : memref<2560x128xi32, #tpu.memory_space<hbm>> -> memref<80x128xi32, #tpu.memory_space<hbm>>
      tpu.wait_dma2 semaphore(%run_scoped3A : memref<!tpu.dma_semaphore, #tpu.memory_space<semaphore_mem>>) src(%dma_wait3A_20 : memref<80x128xi32, #tpu.memory_space<hbm>>) dst(%arg4 : memref<80x128xi32, #tpu.memory_space<vmem>>)
      tpu.yield
    }) : () -> ()
    %broadcast_in_dim3A = arith.constant 0.000000e+00 : f32
    %broadcast_in_dim3A_3 = vector.broadcast %broadcast_in_dim3A : f32 to vector<16xf32>
    %scan3A = arith.constant 0 : i32
    %scan3A_4 = arith.constant 640 : i32
    %scan3A_5 = arith.addi %scan3A, %scan3A_4 : i32
    %scan3A_6 = arith.constant 1 : i32
    scf.for %scan3A_15 = %scan3A to %scan3A_5 step %scan3A_6  : i32 {
      %mul3A_16 = arith.constant 16 : i32
      %mul3A_17 = arith.muli %scan3A_15, %mul3A_16 : i32
      %add3A_18 = arith.constant 0 : i32
      %add3A_19 = arith.addi %add3A_18, %mul3A_17 : i32
      %swap3A = arith.index_cast %add3A_19 : i32 to index
      %swap3A_20 = tpu.vector_load %arg5[%swap3A] {strides = array<i32>} : memref<10240xf32, #tpu.memory_space<vmem>>, vector<16xf32>,
      tpu.vector_store %arg5[%swap3A], %broadcast_in_dim3A_3 {strides = array<i32>} : memref<10240xf32, #tpu.memory_space<vmem>>, vector<16xf32>,
    }
    %scan3A_7 = arith.constant 640 : i32
    %broadcast_in_dim3A_8 = arith.constant 1.000000e+00 : f32
    %broadcast_in_dim3A_9 = vector.broadcast %broadcast_in_dim3A_8 : f32 to vector<16xf32>
    %scan3A_10 = arith.constant 0 : i32
    %scan3A_11 = arith.constant 80 : i32
    %scan3A_12 = arith.addi %scan3A_10, %scan3A_11 : i32
    %scan3A_13 = arith.constant 1 : i32
    scf.for %scan3A_15 = %scan3A_10 to %scan3A_12 step %scan3A_13  : i32 {
      %mul3A_16 = arith.constant 1 : i32
      %mul3A_17 = arith.muli %scan3A_15, %mul3A_16 : i32
      %add3A_18 = arith.constant 0 : i32
      %add3A_19 = arith.addi %add3A_18, %mul3A_17 : i32
      %scan3A_20 = arith.constant 0 : i32
      %scan3A_21 = arith.constant 8 : i32
      %scan3A_22 = arith.addi %scan3A_20, %scan3A_21 : i32
      %scan3A_23 = arith.constant 1 : i32
      scf.for %scan3A_25 = %scan3A_20 to %scan3A_22 step %scan3A_23  : i32 {
        %mul3A_26 = arith.constant 16 : i32
        %mul3A_27 = arith.muli %scan3A_25, %mul3A_26 : i32
        %add3A_28 = arith.constant 0 : i32
        %add3A_29 = arith.addi %add3A_28, %mul3A_27 : i32
        %get3A = arith.index_cast %add3A_19 : i32 to index
        %get3A_30 = arith.index_cast %add3A_29 : i32 to index
        %get3A_31 = tpu.vector_load %arg4[%get3A, %get3A_30] {strides = array<i32>} : memref<80x128xi32, #tpu.memory_space<vmem>>, vector<16xi32>,
        tpu.vector_store_idx %arg5[%get3A_31], %broadcast_in_dim3A_9 {add = true} : memref<10240xf32, #tpu.memory_space<vmem>>[vector<16xi32>], vector<16xf32>,
      }
      %scan3A_24 = arith.constant 8 : i32
    }
    %scan3A_14 = arith.constant 80 : i32
    "tpu.region"() ({
      %run_scoped3A = tpu.sem_alloc : memref<!tpu.dma_semaphore, #tpu.memory_space<semaphore_mem>>
      %dma_start3A = arith.constant 0 : i32
      %dma_start3A_15 = tpu.memref_slice %arg3[%add3A, %dma_start3A] : memref<32x10240xf32, #tpu.memory_space<hbm>> -> memref<1x10240xf32, #tpu.memory_space<hbm>>
      %dma_start3A_16 = tpu.memref_squeeze %dma_start3A_15 : memref<1x10240xf32, #tpu.memory_space<hbm>> -> memref<10240xf32, #tpu.memory_space<hbm>>
      %dma_start3A_17 = arith.constant 0 : i32
      %dma_start3A_18 = tpu.memref_slice %arg3[%add3A, %dma_start3A_17] : memref<32x10240xf32, #tpu.memory_space<hbm>> -> memref<1x10240xf32, #tpu.memory_space<hbm>>
      %dma_start3A_19 = tpu.memref_squeeze %dma_start3A_18 : memref<1x10240xf32, #tpu.memory_space<hbm>> -> memref<10240xf32, #tpu.memory_space<hbm>>
      tpu.enqueue_dma source(%arg5 : memref<10240xf32, #tpu.memory_space<vmem>>) target(%dma_start3A_19 : memref<10240xf32, #tpu.memory_space<hbm>>) target_semaphore(%run_scoped3A : memref<!tpu.dma_semaphore, #tpu.memory_space<semaphore_mem>>)
      %dma_wait3A = arith.constant 0 : i32
      %dma_wait3A_20 = tpu.memref_slice %arg3[%add3A, %dma_wait3A] : memref<32x10240xf32, #tpu.memory_space<hbm>> -> memref<1x10240xf32, #tpu.memory_space<hbm>>
      %dma_wait3A_21 = tpu.memref_squeeze %dma_wait3A_20 : memref<1x10240xf32, #tpu.memory_space<hbm>> -> memref<10240xf32, #tpu.memory_space<hbm>>
      %dma_wait3A_22 = arith.constant 0 : i32
      %dma_wait3A_23 = tpu.memref_slice %arg3[%add3A, %dma_wait3A_22] : memref<32x10240xf32, #tpu.memory_space<hbm>> -> memref<1x10240xf32, #tpu.memory_space<hbm>>
      %dma_wait3A_24 = tpu.memref_squeeze %dma_wait3A_23 : memref<1x10240xf32, #tpu.memory_space<hbm>> -> memref<10240xf32, #tpu.memory_space<hbm>>
      tpu.wait_dma2 semaphore(%run_scoped3A : memref<!tpu.dma_semaphore, #tpu.memory_space<semaphore_mem>>) src(%arg5 : memref<10240xf32, #tpu.memory_space<vmem>>) dst(%dma_wait3A_24 : memref<10240xf32, #tpu.memory_space<hbm>>)
      tpu.yield
    }) : () -> ()
    return
  }
}

#map = affine_map<(d0, d1) -> (0, 0)>
#map1 = affine_map<(d0, d1) -> (0, 0, 0)>
module attributes {stable_mosaic.version = 14 : i64} {
  func.func @_scatter_kernel(%arg0: i32, %arg1: i32, %arg2: memref<2560x128xi32, #tpu.memory_space<hbm>>, %arg3: memref<2560x128xi32, #tpu.memory_space<hbm>>, %arg4: memref<10000x64xf32, #tpu.memory_space<hbm>>, %arg5: memref<2x10240x64xf32, #tpu.memory_space<hbm>>, %arg6: memref<112x128xi32, #tpu.memory_space<vmem>>, %arg7: memref<112x128xi32, #tpu.memory_space<vmem>>, %arg8: memref<128x64xf32, #tpu.memory_space<vmem>>, %arg9: memref<128x64xf32, #tpu.memory_space<vmem>>, %arg10: memref<128x64xf32, #tpu.memory_space<vmem>>, %arg11: memref<128x64xf32, #tpu.memory_space<vmem>>, %arg12: memref<10240x64xf32, #tpu.memory_space<vmem_shared>>, %arg13: memref<!tpu.dma_semaphore, #tpu.memory_space<semaphore_mem>>, %arg14: memref<!tpu.dma_semaphore, #tpu.memory_space<semaphore_mem>>, %arg15: memref<!tpu.dma_semaphore, #tpu.memory_space<semaphore_mem>>, %arg16: memref<!tpu.dma_semaphore, #tpu.memory_space<semaphore_mem>>, %arg17: memref<!tpu.dma_semaphore, #tpu.memory_space<semaphore_mem>>, %arg18: memref<!tpu.dma_semaphore, #tpu.memory_space<semaphore_mem>>, %arg19: memref<!tpu.dma_semaphore, #tpu.memory_space<semaphore_mem>>, %arg20: memref<!tpu.dma_semaphore, #tpu.memory_space<semaphore_mem>>) attributes {dimension_semantics = [#tpu.dimension_semantics<core_parallel>, #tpu.dimension_semantics<subcore_parallel>], iteration_bounds = array<i64: 2, 16>, scalar_prefetch = 0 : i64, scratch_operands = 15 : i64, tpu.core_type = #tpu.core_type<sc_vector_subcore>, window_params = [{transform_indices = #map}, {transform_indices = #map}, {transform_indices = #map}, {transform_indices = #map1}]} {
    %broadcast_in_dim3A = arith.constant 0.000000e+00 : f32
    %broadcast_in_dim3A_0 = vector.broadcast %broadcast_in_dim3A : f32 to vector<16xf32>
    %scan3A = arith.constant 0 : i32
    %scan3A_1 = arith.constant 128 : i32
    %scan3A_2 = arith.addi %scan3A, %scan3A_1 : i32
    %scan3A_3 = arith.constant 1 : i32
    scf.for %scan3A_209 = %scan3A to %scan3A_2 step %scan3A_3  : i32 {
      %mul3A_210 = arith.constant 1 : i32
      %mul3A_211 = arith.muli %scan3A_209, %mul3A_210 : i32
      %add3A_212 = arith.constant 0 : i32
      %add3A_213 = arith.addi %add3A_212, %mul3A_211 : i32
      %scan3A_214 = arith.constant 0 : i32
      %scan3A_215 = arith.constant 4 : i32
      %scan3A_216 = arith.addi %scan3A_214, %scan3A_215 : i32
      %scan3A_217 = arith.constant 1 : i32
      scf.for %scan3A_219 = %scan3A_214 to %scan3A_216 step %scan3A_217  : i32 {
        %mul3A_220 = arith.constant 16 : i32
        %mul3A_221 = arith.muli %scan3A_219, %mul3A_220 : i32
        %add3A_222 = arith.constant 0 : i32
        %add3A_223 = arith.addi %add3A_222, %mul3A_221 : i32
        %swap3A = arith.index_cast %add3A_213 : i32 to index
        %swap3A_224 = arith.index_cast %add3A_223 : i32 to index
        %swap3A_225 = tpu.vector_load %arg8[%swap3A, %swap3A_224] {strides = array<i32>} : memref<128x64xf32, #tpu.memory_space<vmem>>, vector<16xf32>,
        tpu.vector_store %arg8[%swap3A, %swap3A_224], %broadcast_in_dim3A_0 {strides = array<i32>} : memref<128x64xf32, #tpu.memory_space<vmem>>, vector<16xf32>,
      }
      %scan3A_218 = arith.constant 4 : i32
    }
    %scan3A_4 = arith.constant 128 : i32
    %mul3A = arith.constant 640 : i32
    %mul3A_5 = arith.muli %arg1, %mul3A : i32
    %add3A = arith.constant 0 : i32
    %add3A_6 = arith.addi %mul3A_5, %add3A : i32
    "tpu.region"() ({
      %run_scoped3A = tpu.sem_alloc : memref<!tpu.dma_semaphore, #tpu.memory_space<semaphore_mem>>
      %dma_start3A_209 = arith.constant 0 : i32
      %dma_start3A_210 = tpu.memref_slice %arg12[%add3A_6, %dma_start3A_209] : memref<10240x64xf32, #tpu.memory_space<vmem_shared>> -> memref<128x64xf32, #tpu.memory_space<vmem_shared>>
      %dma_start3A_211 = arith.constant 0 : i32
      %dma_start3A_212 = tpu.memref_slice %arg12[%add3A_6, %dma_start3A_211] : memref<10240x64xf32, #tpu.memory_space<vmem_shared>> -> memref<128x64xf32, #tpu.memory_space<vmem_shared>>
      tpu.enqueue_dma source(%arg8 : memref<128x64xf32, #tpu.memory_space<vmem>>) target(%dma_start3A_212 : memref<128x64xf32, #tpu.memory_space<vmem_shared>>) target_semaphore(%run_scoped3A : memref<!tpu.dma_semaphore, #tpu.memory_space<semaphore_mem>>)
      %dma_wait3A_213 = arith.constant 0 : i32
      %dma_wait3A_214 = tpu.memref_slice %arg12[%add3A_6, %dma_wait3A_213] : memref<10240x64xf32, #tpu.memory_space<vmem_shared>> -> memref<128x64xf32, #tpu.memory_space<vmem_shared>>
      %dma_wait3A_215 = arith.constant 0 : i32
      %dma_wait3A_216 = tpu.memref_slice %arg12[%add3A_6, %dma_wait3A_215] : memref<10240x64xf32, #tpu.memory_space<vmem_shared>> -> memref<128x64xf32, #tpu.memory_space<vmem_shared>>
      tpu.wait_dma2 semaphore(%run_scoped3A : memref<!tpu.dma_semaphore, #tpu.memory_space<semaphore_mem>>) src(%arg8 : memref<128x64xf32, #tpu.memory_space<vmem>>) dst(%dma_wait3A_216 : memref<128x64xf32, #tpu.memory_space<vmem_shared>>)
      tpu.yield
    }) : () -> ()
    %mul3A_7 = arith.constant 640 : i32
    %mul3A_8 = arith.muli %arg1, %mul3A_7 : i32
    %add3A_9 = arith.constant 128 : i32
    %add3A_10 = arith.addi %mul3A_8, %add3A_9 : i32
    "tpu.region"() ({
      %run_scoped3A = tpu.sem_alloc : memref<!tpu.dma_semaphore, #tpu.memory_space<semaphore_mem>>
      %dma_start3A_209 = arith.constant 0 : i32
      %dma_start3A_210 = tpu.memref_slice %arg12[%add3A_10, %dma_start3A_209] : memref<10240x64xf32, #tpu.memory_space<vmem_shared>> -> memref<128x64xf32, #tpu.memory_space<vmem_shared>>
      %dma_start3A_211 = arith.constant 0 : i32
      %dma_start3A_212 = tpu.memref_slice %arg12[%add3A_10, %dma_start3A_211] : memref<10240x64xf32, #tpu.memory_space<vmem_shared>> -> memref<128x64xf32, #tpu.memory_space<vmem_shared>>
      tpu.enqueue_dma source(%arg8 : memref<128x64xf32, #tpu.memory_space<vmem>>) target(%dma_start3A_212 : memref<128x64xf32, #tpu.memory_space<vmem_shared>>) target_semaphore(%run_scoped3A : memref<!tpu.dma_semaphore, #tpu.memory_space<semaphore_mem>>)
      %dma_wait3A_213 = arith.constant 0 : i32
      %dma_wait3A_214 = tpu.memref_slice %arg12[%add3A_10, %dma_wait3A_213] : memref<10240x64xf32, #tpu.memory_space<vmem_shared>> -> memref<128x64xf32, #tpu.memory_space<vmem_shared>>
      %dma_wait3A_215 = arith.constant 0 : i32
      %dma_wait3A_216 = tpu.memref_slice %arg12[%add3A_10, %dma_wait3A_215] : memref<10240x64xf32, #tpu.memory_space<vmem_shared>> -> memref<128x64xf32, #tpu.memory_space<vmem_shared>>
      tpu.wait_dma2 semaphore(%run_scoped3A : memref<!tpu.dma_semaphore, #tpu.memory_space<semaphore_mem>>) src(%arg8 : memref<128x64xf32, #tpu.memory_space<vmem>>) dst(%dma_wait3A_216 : memref<128x64xf32, #tpu.memory_space<vmem_shared>>)
      tpu.yield
    }) : () -> ()
    %mul3A_11 = arith.constant 640 : i32
    %mul3A_12 = arith.muli %arg1, %mul3A_11 : i32
    %add3A_13 = arith.constant 256 : i32
    %add3A_14 = arith.addi %mul3A_12, %add3A_13 : i32
    "tpu.region"() ({
      %run_scoped3A = tpu.sem_alloc : memref<!tpu.dma_semaphore, #tpu.memory_space<semaphore_mem>>
      %dma_start3A_209 = arith.constant 0 : i32
      %dma_start3A_210 = tpu.memref_slice %arg12[%add3A_14, %dma_start3A_209] : memref<10240x64xf32, #tpu.memory_space<vmem_shared>> -> memref<128x64xf32, #tpu.memory_space<vmem_shared>>
      %dma_start3A_211 = arith.constant 0 : i32
      %dma_start3A_212 = tpu.memref_slice %arg12[%add3A_14, %dma_start3A_211] : memref<10240x64xf32, #tpu.memory_space<vmem_shared>> -> memref<128x64xf32, #tpu.memory_space<vmem_shared>>
      tpu.enqueue_dma source(%arg8 : memref<128x64xf32, #tpu.memory_space<vmem>>) target(%dma_start3A_212 : memref<128x64xf32, #tpu.memory_space<vmem_shared>>) target_semaphore(%run_scoped3A : memref<!tpu.dma_semaphore, #tpu.memory_space<semaphore_mem>>)
      %dma_wait3A_213 = arith.constant 0 : i32
      %dma_wait3A_214 = tpu.memref_slice %arg12[%add3A_14, %dma_wait3A_213] : memref<10240x64xf32, #tpu.memory_space<vmem_shared>> -> memref<128x64xf32, #tpu.memory_space<vmem_shared>>
      %dma_wait3A_215 = arith.constant 0 : i32
      %dma_wait3A_216 = tpu.memref_slice %arg12[%add3A_14, %dma_wait3A_215] : memref<10240x64xf32, #tpu.memory_space<vmem_shared>> -> memref<128x64xf32, #tpu.memory_space<vmem_shared>>
      tpu.wait_dma2 semaphore(%run_scoped3A : memref<!tpu.dma_semaphore, #tpu.memory_space<semaphore_mem>>) src(%arg8 : memref<128x64xf32, #tpu.memory_space<vmem>>) dst(%dma_wait3A_216 : memref<128x64xf32, #tpu.memory_space<vmem_shared>>)
      tpu.yield
    }) : () -> ()
    %mul3A_15 = arith.constant 640 : i32
    %mul3A_16 = arith.muli %arg1, %mul3A_15 : i32
    %add3A_17 = arith.constant 384 : i32
    %add3A_18 = arith.addi %mul3A_16, %add3A_17 : i32
    "tpu.region"() ({
      %run_scoped3A = tpu.sem_alloc : memref<!tpu.dma_semaphore, #tpu.memory_space<semaphore_mem>>
      %dma_start3A_209 = arith.constant 0 : i32
      %dma_start3A_210 = tpu.memref_slice %arg12[%add3A_18, %dma_start3A_209] : memref<10240x64xf32, #tpu.memory_space<vmem_shared>> -> memref<128x64xf32, #tpu.memory_space<vmem_shared>>
      %dma_start3A_211 = arith.constant 0 : i32
      %dma_start3A_212 = tpu.memref_slice %arg12[%add3A_18, %dma_start3A_211] : memref<10240x64xf32, #tpu.memory_space<vmem_shared>> -> memref<128x64xf32, #tpu.memory_space<vmem_shared>>
      tpu.enqueue_dma source(%arg8 : memref<128x64xf32, #tpu.memory_space<vmem>>) target(%dma_start3A_212 : memref<128x64xf32, #tpu.memory_space<vmem_shared>>) target_semaphore(%run_scoped3A : memref<!tpu.dma_semaphore, #tpu.memory_space<semaphore_mem>>)
      %dma_wait3A_213 = arith.constant 0 : i32
      %dma_wait3A_214 = tpu.memref_slice %arg12[%add3A_18, %dma_wait3A_213] : memref<10240x64xf32, #tpu.memory_space<vmem_shared>> -> memref<128x64xf32, #tpu.memory_space<vmem_shared>>
      %dma_wait3A_215 = arith.constant 0 : i32
      %dma_wait3A_216 = tpu.memref_slice %arg12[%add3A_18, %dma_wait3A_215] : memref<10240x64xf32, #tpu.memory_space<vmem_shared>> -> memref<128x64xf32, #tpu.memory_space<vmem_shared>>
      tpu.wait_dma2 semaphore(%run_scoped3A : memref<!tpu.dma_semaphore, #tpu.memory_space<semaphore_mem>>) src(%arg8 : memref<128x64xf32, #tpu.memory_space<vmem>>) dst(%dma_wait3A_216 : memref<128x64xf32, #tpu.memory_space<vmem_shared>>)
      tpu.yield
    }) : () -> ()
    %mul3A_19 = arith.constant 640 : i32
    %mul3A_20 = arith.muli %arg1, %mul3A_19 : i32
    %add3A_21 = arith.constant 512 : i32
    %add3A_22 = arith.addi %mul3A_20, %add3A_21 : i32
    "tpu.region"() ({
      %run_scoped3A = tpu.sem_alloc : memref<!tpu.dma_semaphore, #tpu.memory_space<semaphore_mem>>
      %dma_start3A_209 = arith.constant 0 : i32
      %dma_start3A_210 = tpu.memref_slice %arg12[%add3A_22, %dma_start3A_209] : memref<10240x64xf32, #tpu.memory_space<vmem_shared>> -> memref<128x64xf32, #tpu.memory_space<vmem_shared>>
      %dma_start3A_211 = arith.constant 0 : i32
      %dma_start3A_212 = tpu.memref_slice %arg12[%add3A_22, %dma_start3A_211] : memref<10240x64xf32, #tpu.memory_space<vmem_shared>> -> memref<128x64xf32, #tpu.memory_space<vmem_shared>>
      tpu.enqueue_dma source(%arg8 : memref<128x64xf32, #tpu.memory_space<vmem>>) target(%dma_start3A_212 : memref<128x64xf32, #tpu.memory_space<vmem_shared>>) target_semaphore(%run_scoped3A : memref<!tpu.dma_semaphore, #tpu.memory_space<semaphore_mem>>)
      %dma_wait3A_213 = arith.constant 0 : i32
      %dma_wait3A_214 = tpu.memref_slice %arg12[%add3A_22, %dma_wait3A_213] : memref<10240x64xf32, #tpu.memory_space<vmem_shared>> -> memref<128x64xf32, #tpu.memory_space<vmem_shared>>
      %dma_wait3A_215 = arith.constant 0 : i32
      %dma_wait3A_216 = tpu.memref_slice %arg12[%add3A_22, %dma_wait3A_215] : memref<10240x64xf32, #tpu.memory_space<vmem_shared>> -> memref<128x64xf32, #tpu.memory_space<vmem_shared>>
      tpu.wait_dma2 semaphore(%run_scoped3A : memref<!tpu.dma_semaphore, #tpu.memory_space<semaphore_mem>>) src(%arg8 : memref<128x64xf32, #tpu.memory_space<vmem>>) dst(%dma_wait3A_216 : memref<128x64xf32, #tpu.memory_space<vmem_shared>>)
      tpu.yield
    }) : () -> ()
    %barrier3A = arith.constant 0 : index
    tpu.barrier barrier_id(%barrier3A)
    %eq3A = arith.constant 0 : i32
    %eq3A_23 = arith.cmpi eq, %arg0, %eq3A : i32
    %convert_element_type3A = arith.extui %eq3A_23 : i1 to i32
    %cond3A = arith.constant 0 : i32
    %cond3A_24 = arith.cmpi ne, %convert_element_type3A, %cond3A : i32
    scf.if %cond3A_24 {
      %mul3A_209 = arith.constant 112 : i32
      %mul3A_210 = arith.muli %arg1, %mul3A_209 : i32
      "tpu.region"() ({
        %run_scoped3A = tpu.sem_alloc : memref<!tpu.dma_semaphore, #tpu.memory_space<semaphore_mem>>
        %dma_start3A_244 = arith.constant 0 : i32
        %dma_start3A_245 = arith.constant 0 : i32
        %dma_start3A_246 = tpu.memref_slice %arg6[%dma_start3A_244, %dma_start3A_245] : memref<112x128xi32, #tpu.memory_space<vmem>> -> memref<112x128xi32, #tpu.memory_space<vmem>>
        %dma_start3A_247 = arith.constant 0 : i32
        %dma_start3A_248 = tpu.memref_slice %arg2[%mul3A_210, %dma_start3A_247] : memref<2560x128xi32, #tpu.memory_space<hbm>> -> memref<112x128xi32, #tpu.memory_space<hbm>>
        %dma_start3A_249 = arith.constant 0 : i32
        %dma_start3A_250 = arith.constant 0 : i32
        %dma_start3A_251 = tpu.memref_slice %arg6[%dma_start3A_249, %dma_start3A_250] : memref<112x128xi32, #tpu.memory_space<vmem>> -> memref<112x128xi32, #tpu.memory_space<vmem>>
        %dma_start3A_252 = arith.constant 0 : i32
        %dma_start3A_253 = tpu.memref_slice %arg2[%mul3A_210, %dma_start3A_252] : memref<2560x128xi32, #tpu.memory_space<hbm>> -> memref<112x128xi32, #tpu.memory_space<hbm>>
        tpu.enqueue_dma source(%dma_start3A_253 : memref<112x128xi32, #tpu.memory_space<hbm>>) target(%dma_start3A_251 : memref<112x128xi32, #tpu.memory_space<vmem>>) target_semaphore(%run_scoped3A : memref<!tpu.dma_semaphore, #tpu.memory_space<semaphore_mem>>)
        %dma_wait3A_254 = arith.constant 0 : i32
        %dma_wait3A_255 = arith.constant 0 : i32
        %dma_wait3A_256 = tpu.memref_slice %arg6[%dma_wait3A_254, %dma_wait3A_255] : memref<112x128xi32, #tpu.memory_space<vmem>> -> memref<112x128xi32, #tpu.memory_space<vmem>>
        %dma_wait3A_257 = arith.constant 0 : i32
        %dma_wait3A_258 = tpu.memref_slice %arg2[%mul3A_210, %dma_wait3A_257] : memref<2560x128xi32, #tpu.memory_space<hbm>> -> memref<112x128xi32, #tpu.memory_space<hbm>>
        %dma_wait3A_259 = arith.constant 0 : i32
        %dma_wait3A_260 = arith.constant 0 : i32
        %dma_wait3A_261 = tpu.memref_slice %arg6[%dma_wait3A_259, %dma_wait3A_260] : memref<112x128xi32, #tpu.memory_space<vmem>> -> memref<112x128xi32, #tpu.memory_space<vmem>>
        %dma_wait3A_262 = arith.constant 0 : i32
        %dma_wait3A_263 = tpu.memref_slice %arg2[%mul3A_210, %dma_wait3A_262] : memref<2560x128xi32, #tpu.memory_space<hbm>> -> memref<112x128xi32, #tpu.memory_space<hbm>>
        tpu.wait_dma2 semaphore(%run_scoped3A : memref<!tpu.dma_semaphore, #tpu.memory_space<semaphore_mem>>) src(%dma_wait3A_263 : memref<112x128xi32, #tpu.memory_space<hbm>>) dst(%dma_wait3A_261 : memref<112x128xi32, #tpu.memory_space<vmem>>)
        tpu.yield
      }) : () -> ()
      "tpu.region"() ({
        %run_scoped3A = tpu.sem_alloc : memref<!tpu.dma_semaphore, #tpu.memory_space<semaphore_mem>>
        %dma_start3A_244 = arith.constant 0 : i32
        %dma_start3A_245 = arith.constant 0 : i32
        %dma_start3A_246 = tpu.memref_slice %arg7[%dma_start3A_244, %dma_start3A_245] : memref<112x128xi32, #tpu.memory_space<vmem>> -> memref<112x128xi32, #tpu.memory_space<vmem>>
        %dma_start3A_247 = arith.constant 0 : i32
        %dma_start3A_248 = tpu.memref_slice %arg3[%mul3A_210, %dma_start3A_247] : memref<2560x128xi32, #tpu.memory_space<hbm>> -> memref<112x128xi32, #tpu.memory_space<hbm>>
        %dma_start3A_249 = arith.constant 0 : i32
        %dma_start3A_250 = arith.constant 0 : i32
        %dma_start3A_251 = tpu.memref_slice %arg7[%dma_start3A_249, %dma_start3A_250] : memref<112x128xi32, #tpu.memory_space<vmem>> -> memref<112x128xi32, #tpu.memory_space<vmem>>
        %dma_start3A_252 = arith.constant 0 : i32
        %dma_start3A_253 = tpu.memref_slice %arg3[%mul3A_210, %dma_start3A_252] : memref<2560x128xi32, #tpu.memory_space<hbm>> -> memref<112x128xi32, #tpu.memory_space<hbm>>
        tpu.enqueue_dma source(%dma_start3A_253 : memref<112x128xi32, #tpu.memory_space<hbm>>) target(%dma_start3A_251 : memref<112x128xi32, #tpu.memory_space<vmem>>) target_semaphore(%run_scoped3A : memref<!tpu.dma_semaphore, #tpu.memory_space<semaphore_mem>>)
        %dma_wait3A_254 = arith.constant 0 : i32
        %dma_wait3A_255 = arith.constant 0 : i32
        %dma_wait3A_256 = tpu.memref_slice %arg7[%dma_wait3A_254, %dma_wait3A_255] : memref<112x128xi32, #tpu.memory_space<vmem>> -> memref<112x128xi32, #tpu.memory_space<vmem>>
        %dma_wait3A_257 = arith.constant 0 : i32
        %dma_wait3A_258 = tpu.memref_slice %arg3[%mul3A_210, %dma_wait3A_257] : memref<2560x128xi32, #tpu.memory_space<hbm>> -> memref<112x128xi32, #tpu.memory_space<hbm>>
        %dma_wait3A_259 = arith.constant 0 : i32
        %dma_wait3A_260 = arith.constant 0 : i32
        %dma_wait3A_261 = tpu.memref_slice %arg7[%dma_wait3A_259, %dma_wait3A_260] : memref<112x128xi32, #tpu.memory_space<vmem>> -> memref<112x128xi32, #tpu.memory_space<vmem>>
        %dma_wait3A_262 = arith.constant 0 : i32
        %dma_wait3A_263 = tpu.memref_slice %arg3[%mul3A_210, %dma_wait3A_262] : memref<2560x128xi32, #tpu.memory_space<hbm>> -> memref<112x128xi32, #tpu.memory_space<hbm>>
        tpu.wait_dma2 semaphore(%run_scoped3A : memref<!tpu.dma_semaphore, #tpu.memory_space<semaphore_mem>>) src(%dma_wait3A_263 : memref<112x128xi32, #tpu.memory_space<hbm>>) dst(%dma_wait3A_261 : memref<112x128xi32, #tpu.memory_space<vmem>>)
        tpu.yield
      }) : () -> ()
      %dma_start3A_211 = arith.constant 0 : i32
      %dma_start3A_212 = arith.constant 0 : i32
      %dma_start3A_213 = tpu.memref_slice %arg6[%dma_start3A_211, %dma_start3A_212] : memref<112x128xi32, #tpu.memory_space<vmem>> -> memref<1x128xi32, #tpu.memory_space<vmem>>
      %dma_start3A_214 = tpu.memref_squeeze %dma_start3A_213 : memref<1x128xi32, #tpu.memory_space<vmem>> -> memref<128xi32, #tpu.memory_space<vmem>>
      %dma_start3A_215 = arith.constant 0 : i32
      %dma_start3A_216 = arith.constant 0 : i32
      %dma_start3A_217 = tpu.memref_slice %arg4[%dma_start3A_215, %dma_start3A_216] : memref<10000x64xf32, #tpu.memory_space<hbm>> -> memref<10000x64xf32, #tpu.memory_space<hbm>>
      tpu.enqueue_indirect_dma source(%dma_start3A_217 : memref<10000x64xf32, #tpu.memory_space<hbm>>) target(%arg8 : memref<128x64xf32, #tpu.memory_space<vmem>>) offsets(%dma_start3A_214 : memref<128xi32, #tpu.memory_space<vmem>>) semaphore(%arg13 : memref<!tpu.dma_semaphore, #tpu.memory_space<semaphore_mem>>)
      %dma_start3A_218 = arith.constant 1 : i32
      %dma_start3A_219 = arith.constant 0 : i32
      %dma_start3A_220 = tpu.memref_slice %arg6[%dma_start3A_218, %dma_start3A_219] : memref<112x128xi32, #tpu.memory_space<vmem>> -> memref<1x128xi32, #tpu.memory_space<vmem>>
      %dma_start3A_221 = tpu.memref_squeeze %dma_start3A_220 : memref<1x128xi32, #tpu.memory_space<vmem>> -> memref<128xi32, #tpu.memory_space<vmem>>
      %dma_start3A_222 = arith.constant 0 : i32
      %dma_start3A_223 = arith.constant 0 : i32
      %dma_start3A_224 = tpu.memref_slice %arg4[%dma_start3A_222, %dma_start3A_223] : memref<10000x64xf32, #tpu.memory_space<hbm>> -> memref<10000x64xf32, #tpu.memory_space<hbm>>
      tpu.enqueue_indirect_dma source(%dma_start3A_224 : memref<10000x64xf32, #tpu.memory_space<hbm>>) target(%arg9 : memref<128x64xf32, #tpu.memory_space<vmem>>) offsets(%dma_start3A_221 : memref<128xi32, #tpu.memory_space<vmem>>) semaphore(%arg14 : memref<!tpu.dma_semaphore, #tpu.memory_space<semaphore_mem>>)
      %scan3A_225 = arith.constant 0 : i32
      %scan3A_226 = arith.constant 28 : i32
      %scan3A_227 = arith.addi %scan3A_225, %scan3A_226 : i32
      %scan3A_228 = arith.constant 1 : i32
      scf.for %scan3A_244 = %scan3A_225 to %scan3A_227 step %scan3A_228  : i32 {
        %mul3A_245 = arith.constant 4 : i32
        %mul3A_246 = arith.muli %scan3A_244, %mul3A_245 : i32
        %add3A_247 = arith.constant 0 : i32
        %add3A_248 = arith.addi %add3A_247, %mul3A_246 : i32
        %add3A_249 = arith.constant 0 : i32
        %add3A_250 = arith.addi %add3A_248, %add3A_249 : i32
        %dma_wait3A_251 = arith.constant 0 : i32
        %dma_wait3A_252 = tpu.memref_slice %arg6[%add3A_250, %dma_wait3A_251] : memref<112x128xi32, #tpu.memory_space<vmem>> -> memref<1x128xi32, #tpu.memory_space<vmem>>
        %dma_wait3A_253 = tpu.memref_squeeze %dma_wait3A_252 : memref<1x128xi32, #tpu.memory_space<vmem>> -> memref<128xi32, #tpu.memory_space<vmem>>
        %dma_wait3A_254 = arith.constant 0 : i32
        %dma_wait3A_255 = arith.constant 0 : i32
        %dma_wait3A_256 = tpu.memref_slice %arg4[%dma_wait3A_254, %dma_wait3A_255] : memref<10000x64xf32, #tpu.memory_space<hbm>> -> memref<10000x64xf32, #tpu.memory_space<hbm>>
        tpu.wait_indirect_dma semaphore(%arg13 : memref<!tpu.dma_semaphore, #tpu.memory_space<semaphore_mem>>) src(%dma_wait3A_256 : memref<10000x64xf32, #tpu.memory_space<hbm>>) dst(%arg8 : memref<128x64xf32, #tpu.memory_space<vmem>>)
        %dma_start3A_257 = arith.constant 0 : i32
        %dma_start3A_258 = tpu.memref_slice %arg7[%add3A_250, %dma_start3A_257] : memref<112x128xi32, #tpu.memory_space<vmem>> -> memref<1x128xi32, #tpu.memory_space<vmem>>
        %dma_start3A_259 = tpu.memref_squeeze %dma_start3A_258 : memref<1x128xi32, #tpu.memory_space<vmem>> -> memref<128xi32, #tpu.memory_space<vmem>>
        %dma_start3A_260 = arith.constant 0 : i32
        %dma_start3A_261 = arith.constant 0 : i32
        %dma_start3A_262 = tpu.memref_slice %arg12[%dma_start3A_260, %dma_start3A_261] : memref<10240x64xf32, #tpu.memory_space<vmem_shared>> -> memref<10240x64xf32, #tpu.memory_space<vmem_shared>>
        tpu.enqueue_indirect_dma source(%arg8 : memref<128x64xf32, #tpu.memory_space<vmem>>) target(%dma_start3A_262 : memref<10240x64xf32, #tpu.memory_space<vmem_shared>>) offsets(%dma_start3A_259 : memref<128xi32, #tpu.memory_space<vmem>>) semaphore(%arg17 : memref<!tpu.dma_semaphore, #tpu.memory_space<semaphore_mem>>) {add = true}
        %ge3A = arith.constant 2 : i32
        %ge3A_263 = arith.cmpi sge, %add3A_250, %ge3A : i32
        %convert_element_type3A_264 = arith.extui %ge3A_263 : i1 to i32
        %cond3A_265 = arith.constant 0 : i32
        %cond3A_266 = arith.cmpi ne, %convert_element_type3A_264, %cond3A_265 : i32
        scf.if %cond3A_266 {
          %sub3A = arith.constant 2 : i32
          %sub3A_351 = arith.subi %add3A_250, %sub3A : i32
          %dma_wait3A_352 = arith.constant 0 : i32
          %dma_wait3A_353 = tpu.memref_slice %arg7[%sub3A_351, %dma_wait3A_352] : memref<112x128xi32, #tpu.memory_space<vmem>> -> memref<1x128xi32, #tpu.memory_space<vmem>>
          %dma_wait3A_354 = tpu.memref_squeeze %dma_wait3A_353 : memref<1x128xi32, #tpu.memory_space<vmem>> -> memref<128xi32, #tpu.memory_space<vmem>>
          %dma_wait3A_355 = arith.constant 0 : i32
          %dma_wait3A_356 = arith.constant 0 : i32
          %dma_wait3A_357 = tpu.memref_slice %arg12[%dma_wait3A_355, %dma_wait3A_356] : memref<10240x64xf32, #tpu.memory_space<vmem_shared>> -> memref<10240x64xf32, #tpu.memory_space<vmem_shared>>
          tpu.wait_indirect_dma semaphore(%arg19 : memref<!tpu.dma_semaphore, #tpu.memory_space<semaphore_mem>>) src(%arg10 : memref<128x64xf32, #tpu.memory_space<vmem>>) dst(%dma_wait3A_357 : memref<10240x64xf32, #tpu.memory_space<vmem_shared>>)
        } else {
        }
        %add3A_267 = arith.constant 2 : i32
        %add3A_268 = arith.addi %add3A_250, %add3A_267 : i32
        %lt3A = arith.constant 112 : i32
        %lt3A_269 = arith.cmpi slt, %add3A_268, %lt3A : i32
        %convert_element_type3A_270 = arith.extui %lt3A_269 : i1 to i32
        %cond3A_271 = arith.constant 0 : i32
        %cond3A_272 = arith.cmpi ne, %convert_element_type3A_270, %cond3A_271 : i32
        scf.if %cond3A_272 {
          %add3A_351 = arith.constant 2 : i32
          %add3A_352 = arith.addi %add3A_250, %add3A_351 : i32
          %dma_start3A_353 = arith.constant 0 : i32
          %dma_start3A_354 = tpu.memref_slice %arg6[%add3A_352, %dma_start3A_353] : memref<112x128xi32, #tpu.memory_space<vmem>> -> memref<1x128xi32, #tpu.memory_space<vmem>>
          %dma_start3A_355 = tpu.memref_squeeze %dma_start3A_354 : memref<1x128xi32, #tpu.memory_space<vmem>> -> memref<128xi32, #tpu.memory_space<vmem>>
          %dma_start3A_356 = arith.constant 0 : i32
          %dma_start3A_357 = arith.constant 0 : i32
          %dma_start3A_358 = tpu.memref_slice %arg4[%dma_start3A_356, %dma_start3A_357] : memref<10000x64xf32, #tpu.memory_space<hbm>> -> memref<10000x64xf32, #tpu.memory_space<hbm>>
          tpu.enqueue_indirect_dma source(%dma_start3A_358 : memref<10000x64xf32, #tpu.memory_space<hbm>>) target(%arg10 : memref<128x64xf32, #tpu.memory_space<vmem>>) offsets(%dma_start3A_355 : memref<128xi32, #tpu.memory_space<vmem>>) semaphore(%arg15 : memref<!tpu.dma_semaphore, #tpu.memory_space<semaphore_mem>>)
        } else {
        }
        %add3A_273 = arith.constant 1 : i32
        %add3A_274 = arith.addi %add3A_248, %add3A_273 : i32
        %dma_wait3A_275 = arith.constant 0 : i32
        %dma_wait3A_276 = tpu.memref_slice %arg6[%add3A_274, %dma_wait3A_275] : memref<112x128xi32, #tpu.memory_space<vmem>> -> memref<1x128xi32, #tpu.memory_space<vmem>>
        %dma_wait3A_277 = tpu.memref_squeeze %dma_wait3A_276 : memref<1x128xi32, #tpu.memory_space<vmem>> -> memref<128xi32, #tpu.memory_space<vmem>>
        %dma_wait3A_278 = arith.constant 0 : i32
        %dma_wait3A_279 = arith.constant 0 : i32
        %dma_wait3A_280 = tpu.memref_slice %arg4[%dma_wait3A_278, %dma_wait3A_279] : memref<10000x64xf32, #tpu.memory_space<hbm>> -> memref<10000x64xf32, #tpu.memory_space<hbm>>
        tpu.wait_indirect_dma semaphore(%arg14 : memref<!tpu.dma_semaphore, #tpu.memory_space<semaphore_mem>>) src(%dma_wait3A_280 : memref<10000x64xf32, #tpu.memory_space<hbm>>) dst(%arg9 : memref<128x64xf32, #tpu.memory_space<vmem>>)
        %dma_start3A_281 = arith.constant 0 : i32
        %dma_start3A_282 = tpu.memref_slice %arg7[%add3A_274, %dma_start3A_281] : memref<112x128xi32, #tpu.memory_space<vmem>> -> memref<1x128xi32, #tpu.memory_space<vmem>>
        %dma_start3A_283 = tpu.memref_squeeze %dma_start3A_282 : memref<1x128xi32, #tpu.memory_space<vmem>> -> memref<128xi32, #tpu.memory_space<vmem>>
        %dma_start3A_284 = arith.constant 0 : i32
        %dma_start3A_285 = arith.constant 0 : i32
        %dma_start3A_286 = tpu.memref_slice %arg12[%dma_start3A_284, %dma_start3A_285] : memref<10240x64xf32, #tpu.memory_space<vmem_shared>> -> memref<10240x64xf32, #tpu.memory_space<vmem_shared>>
        tpu.enqueue_indirect_dma source(%arg9 : memref<128x64xf32, #tpu.memory_space<vmem>>) target(%dma_start3A_286 : memref<10240x64xf32, #tpu.memory_space<vmem_shared>>) offsets(%dma_start3A_283 : memref<128xi32, #tpu.memory_space<vmem>>) semaphore(%arg18 : memref<!tpu.dma_semaphore, #tpu.memory_space<semaphore_mem>>) {add = true}
        %ge3A_287 = arith.constant 2 : i32
        %ge3A_288 = arith.cmpi sge, %add3A_274, %ge3A_287 : i32
        %convert_element_type3A_289 = arith.extui %ge3A_288 : i1 to i32
        %cond3A_290 = arith.constant 0 : i32
        %cond3A_291 = arith.cmpi ne, %convert_element_type3A_289, %cond3A_290 : i32
        scf.if %cond3A_291 {
          %sub3A = arith.constant 2 : i32
          %sub3A_351 = arith.subi %add3A_274, %sub3A : i32
          %dma_wait3A_352 = arith.constant 0 : i32
          %dma_wait3A_353 = tpu.memref_slice %arg7[%sub3A_351, %dma_wait3A_352] : memref<112x128xi32, #tpu.memory_space<vmem>> -> memref<1x128xi32, #tpu.memory_space<vmem>>
          %dma_wait3A_354 = tpu.memref_squeeze %dma_wait3A_353 : memref<1x128xi32, #tpu.memory_space<vmem>> -> memref<128xi32, #tpu.memory_space<vmem>>
          %dma_wait3A_355 = arith.constant 0 : i32
          %dma_wait3A_356 = arith.constant 0 : i32
          %dma_wait3A_357 = tpu.memref_slice %arg12[%dma_wait3A_355, %dma_wait3A_356] : memref<10240x64xf32, #tpu.memory_space<vmem_shared>> -> memref<10240x64xf32, #tpu.memory_space<vmem_shared>>
          tpu.wait_indirect_dma semaphore(%arg20 : memref<!tpu.dma_semaphore, #tpu.memory_space<semaphore_mem>>) src(%arg11 : memref<128x64xf32, #tpu.memory_space<vmem>>) dst(%dma_wait3A_357 : memref<10240x64xf32, #tpu.memory_space<vmem_shared>>)
        } else {
        }
        %add3A_292 = arith.constant 2 : i32
        %add3A_293 = arith.addi %add3A_274, %add3A_292 : i32
        %lt3A_294 = arith.constant 112 : i32
        %lt3A_295 = arith.cmpi slt, %add3A_293, %lt3A_294 : i32
        %convert_element_type3A_296 = arith.extui %lt3A_295 : i1 to i32
        %cond3A_297 = arith.constant 0 : i32
        %cond3A_298 = arith.cmpi ne, %convert_element_type3A_296, %cond3A_297 : i32
        scf.if %cond3A_298 {
          %add3A_351 = arith.constant 2 : i32
          %add3A_352 = arith.addi %add3A_274, %add3A_351 : i32
          %dma_start3A_353 = arith.constant 0 : i32
          %dma_start3A_354 = tpu.memref_slice %arg6[%add3A_352, %dma_start3A_353] : memref<112x128xi32, #tpu.memory_space<vmem>> -> memref<1x128xi32, #tpu.memory_space<vmem>>
          %dma_start3A_355 = tpu.memref_squeeze %dma_start3A_354 : memref<1x128xi32, #tpu.memory_space<vmem>> -> memref<128xi32, #tpu.memory_space<vmem>>
          %dma_start3A_356 = arith.constant 0 : i32
          %dma_start3A_357 = arith.constant 0 : i32
          %dma_start3A_358 = tpu.memref_slice %arg4[%dma_start3A_356, %dma_start3A_357] : memref<10000x64xf32, #tpu.memory_space<hbm>> -> memref<10000x64xf32, #tpu.memory_space<hbm>>
          tpu.enqueue_indirect_dma source(%dma_start3A_358 : memref<10000x64xf32, #tpu.memory_space<hbm>>) target(%arg11 : memref<128x64xf32, #tpu.memory_space<vmem>>) offsets(%dma_start3A_355 : memref<128xi32, #tpu.memory_space<vmem>>) semaphore(%arg16 : memref<!tpu.dma_semaphore, #tpu.memory_space<semaphore_mem>>)
        } else {
        }
        %add3A_299 = arith.constant 2 : i32
        %add3A_300 = arith.addi %add3A_248, %add3A_299 : i32
        %dma_wait3A_301 = arith.constant 0 : i32
        %dma_wait3A_302 = tpu.memref_slice %arg6[%add3A_300, %dma_wait3A_301] : memref<112x128xi32, #tpu.memory_space<vmem>> -> memref<1x128xi32, #tpu.memory_space<vmem>>
        %dma_wait3A_303 = tpu.memref_squeeze %dma_wait3A_302 : memref<1x128xi32, #tpu.memory_space<vmem>> -> memref<128xi32, #tpu.memory_space<vmem>>
        %dma_wait3A_304 = arith.constant 0 : i32
        %dma_wait3A_305 = arith.constant 0 : i32
        %dma_wait3A_306 = tpu.memref_slice %arg4[%dma_wait3A_304, %dma_wait3A_305] : memref<10000x64xf32, #tpu.memory_space<hbm>> -> memref<10000x64xf32, #tpu.memory_space<hbm>>
        tpu.wait_indirect_dma semaphore(%arg15 : memref<!tpu.dma_semaphore, #tpu.memory_space<semaphore_mem>>) src(%dma_wait3A_306 : memref<10000x64xf32, #tpu.memory_space<hbm>>) dst(%arg10 : memref<128x64xf32, #tpu.memory_space<vmem>>)
        %dma_start3A_307 = arith.constant 0 : i32
        %dma_start3A_308 = tpu.memref_slice %arg7[%add3A_300, %dma_start3A_307] : memref<112x128xi32, #tpu.memory_space<vmem>> -> memref<1x128xi32, #tpu.memory_space<vmem>>
        %dma_start3A_309 = tpu.memref_squeeze %dma_start3A_308 : memref<1x128xi32, #tpu.memory_space<vmem>> -> memref<128xi32, #tpu.memory_space<vmem>>
        %dma_start3A_310 = arith.constant 0 : i32
        %dma_start3A_311 = arith.constant 0 : i32
        %dma_start3A_312 = tpu.memref_slice %arg12[%dma_start3A_310, %dma_start3A_311] : memref<10240x64xf32, #tpu.memory_space<vmem_shared>> -> memref<10240x64xf32, #tpu.memory_space<vmem_shared>>
        tpu.enqueue_indirect_dma source(%arg10 : memref<128x64xf32, #tpu.memory_space<vmem>>) target(%dma_start3A_312 : memref<10240x64xf32, #tpu.memory_space<vmem_shared>>) offsets(%dma_start3A_309 : memref<128xi32, #tpu.memory_space<vmem>>) semaphore(%arg19 : memref<!tpu.dma_semaphore, #tpu.memory_space<semaphore_mem>>) {add = true}
        %ge3A_313 = arith.constant 2 : i32
        %ge3A_314 = arith.cmpi sge, %add3A_300, %ge3A_313 : i32
        %convert_element_type3A_315 = arith.extui %ge3A_314 : i1 to i32
        %cond3A_316 = arith.constant 0 : i32
        %cond3A_317 = arith.cmpi ne, %convert_element_type3A_315, %cond3A_316 : i32
        scf.if %cond3A_317 {
          %sub3A = arith.constant 2 : i32
          %sub3A_351 = arith.subi %add3A_300, %sub3A : i32
          %dma_wait3A_352 = arith.constant 0 : i32
          %dma_wait3A_353 = tpu.memref_slice %arg7[%sub3A_351, %dma_wait3A_352] : memref<112x128xi32, #tpu.memory_space<vmem>> -> memref<1x128xi32, #tpu.memory_space<vmem>>
          %dma_wait3A_354 = tpu.memref_squeeze %dma_wait3A_353 : memref<1x128xi32, #tpu.memory_space<vmem>> -> memref<128xi32, #tpu.memory_space<vmem>>
          %dma_wait3A_355 = arith.constant 0 : i32
          %dma_wait3A_356 = arith.constant 0 : i32
          %dma_wait3A_357 = tpu.memref_slice %arg12[%dma_wait3A_355, %dma_wait3A_356] : memref<10240x64xf32, #tpu.memory_space<vmem_shared>> -> memref<10240x64xf32, #tpu.memory_space<vmem_shared>>
          tpu.wait_indirect_dma semaphore(%arg17 : memref<!tpu.dma_semaphore, #tpu.memory_space<semaphore_mem>>) src(%arg8 : memref<128x64xf32, #tpu.memory_space<vmem>>) dst(%dma_wait3A_357 : memref<10240x64xf32, #tpu.memory_space<vmem_shared>>)
        } else {
        }
        %add3A_318 = arith.constant 2 : i32
        %add3A_319 = arith.addi %add3A_300, %add3A_318 : i32
        %lt3A_320 = arith.constant 112 : i32
        %lt3A_321 = arith.cmpi slt, %add3A_319, %lt3A_320 : i32
        %convert_element_type3A_322 = arith.extui %lt3A_321 : i1 to i32
        %cond3A_323 = arith.constant 0 : i32
        %cond3A_324 = arith.cmpi ne, %convert_element_type3A_322, %cond3A_323 : i32
        scf.if %cond3A_324 {
          %add3A_351 = arith.constant 2 : i32
          %add3A_352 = arith.addi %add3A_300, %add3A_351 : i32
          %dma_start3A_353 = arith.constant 0 : i32
          %dma_start3A_354 = tpu.memref_slice %arg6[%add3A_352, %dma_start3A_353] : memref<112x128xi32, #tpu.memory_space<vmem>> -> memref<1x128xi32, #tpu.memory_space<vmem>>
          %dma_start3A_355 = tpu.memref_squeeze %dma_start3A_354 : memref<1x128xi32, #tpu.memory_space<vmem>> -> memref<128xi32, #tpu.memory_space<vmem>>
          %dma_start3A_356 = arith.constant 0 : i32
          %dma_start3A_357 = arith.constant 0 : i32
          %dma_start3A_358 = tpu.memref_slice %arg4[%dma_start3A_356, %dma_start3A_357] : memref<10000x64xf32, #tpu.memory_space<hbm>> -> memref<10000x64xf32, #tpu.memory_space<hbm>>
          tpu.enqueue_indirect_dma source(%dma_start3A_358 : memref<10000x64xf32, #tpu.memory_space<hbm>>) target(%arg8 : memref<128x64xf32, #tpu.memory_space<vmem>>) offsets(%dma_start3A_355 : memref<128xi32, #tpu.memory_space<vmem>>) semaphore(%arg13 : memref<!tpu.dma_semaphore, #tpu.memory_space<semaphore_mem>>)
        } else {
        }
        %add3A_325 = arith.constant 3 : i32
        %add3A_326 = arith.addi %add3A_248, %add3A_325 : i32
        %dma_wait3A_327 = arith.constant 0 : i32
        %dma_wait3A_328 = tpu.memref_slice %arg6[%add3A_326, %dma_wait3A_327] : memref<112x128xi32, #tpu.memory_space<vmem>> -> memref<1x128xi32, #tpu.memory_space<vmem>>
        %dma_wait3A_329 = tpu.memref_squeeze %dma_wait3A_328 : memref<1x128xi32, #tpu.memory_space<vmem>> -> memref<128xi32, #tpu.memory_space<vmem>>
        %dma_wait3A_330 = arith.constant 0 : i32
        %dma_wait3A_331 = arith.constant 0 : i32
        %dma_wait3A_332 = tpu.memref_slice %arg4[%dma_wait3A_330, %dma_wait3A_331] : memref<10000x64xf32, #tpu.memory_space<hbm>> -> memref<10000x64xf32, #tpu.memory_space<hbm>>
        tpu.wait_indirect_dma semaphore(%arg16 : memref<!tpu.dma_semaphore, #tpu.memory_space<semaphore_mem>>) src(%dma_wait3A_332 : memref<10000x64xf32, #tpu.memory_space<hbm>>) dst(%arg11 : memref<128x64xf32, #tpu.memory_space<vmem>>)
        %dma_start3A_333 = arith.constant 0 : i32
        %dma_start3A_334 = tpu.memref_slice %arg7[%add3A_326, %dma_start3A_333] : memref<112x128xi32, #tpu.memory_space<vmem>> -> memref<1x128xi32, #tpu.memory_space<vmem>>
        %dma_start3A_335 = tpu.memref_squeeze %dma_start3A_334 : memref<1x128xi32, #tpu.memory_space<vmem>> -> memref<128xi32, #tpu.memory_space<vmem>>
        %dma_start3A_336 = arith.constant 0 : i32
        %dma_start3A_337 = arith.constant 0 : i32
        %dma_start3A_338 = tpu.memref_slice %arg12[%dma_start3A_336, %dma_start3A_337] : memref<10240x64xf32, #tpu.memory_space<vmem_shared>> -> memref<10240x64xf32, #tpu.memory_space<vmem_shared>>
        tpu.enqueue_indirect_dma source(%arg11 : memref<128x64xf32, #tpu.memory_space<vmem>>) target(%dma_start3A_338 : memref<10240x64xf32, #tpu.memory_space<vmem_shared>>) offsets(%dma_start3A_335 : memref<128xi32, #tpu.memory_space<vmem>>) semaphore(%arg20 : memref<!tpu.dma_semaphore, #tpu.memory_space<semaphore_mem>>) {add = true}
        %ge3A_339 = arith.constant 2 : i32
        %ge3A_340 = arith.cmpi sge, %add3A_326, %ge3A_339 : i32
        %convert_element_type3A_341 = arith.extui %ge3A_340 : i1 to i32
        %cond3A_342 = arith.constant 0 : i32
        %cond3A_343 = arith.cmpi ne, %convert_element_type3A_341, %cond3A_342 : i32
        scf.if %cond3A_343 {
          %sub3A = arith.constant 2 : i32
          %sub3A_351 = arith.subi %add3A_326, %sub3A : i32
          %dma_wait3A_352 = arith.constant 0 : i32
          %dma_wait3A_353 = tpu.memref_slice %arg7[%sub3A_351, %dma_wait3A_352] : memref<112x128xi32, #tpu.memory_space<vmem>> -> memref<1x128xi32, #tpu.memory_space<vmem>>
          %dma_wait3A_354 = tpu.memref_squeeze %dma_wait3A_353 : memref<1x128xi32, #tpu.memory_space<vmem>> -> memref<128xi32, #tpu.memory_space<vmem>>
          %dma_wait3A_355 = arith.constant 0 : i32
          %dma_wait3A_356 = arith.constant 0 : i32
          %dma_wait3A_357 = tpu.memref_slice %arg12[%dma_wait3A_355, %dma_wait3A_356] : memref<10240x64xf32, #tpu.memory_space<vmem_shared>> -> memref<10240x64xf32, #tpu.memory_space<vmem_shared>>
          tpu.wait_indirect_dma semaphore(%arg18 : memref<!tpu.dma_semaphore, #tpu.memory_space<semaphore_mem>>) src(%arg9 : memref<128x64xf32, #tpu.memory_space<vmem>>) dst(%dma_wait3A_357 : memref<10240x64xf32, #tpu.memory_space<vmem_shared>>)
        } else {
        }
        %add3A_344 = arith.constant 2 : i32
        %add3A_345 = arith.addi %add3A_326, %add3A_344 : i32
        %lt3A_346 = arith.constant 112 : i32
        %lt3A_347 = arith.cmpi slt, %add3A_345, %lt3A_346 : i32
        %convert_element_type3A_348 = arith.extui %lt3A_347 : i1 to i32
        %cond3A_349 = arith.constant 0 : i32
        %cond3A_350 = arith.cmpi ne, %convert_element_type3A_348, %cond3A_349 : i32
        scf.if %cond3A_350 {
          %add3A_351 = arith.constant 2 : i32
          %add3A_352 = arith.addi %add3A_326, %add3A_351 : i32
          %dma_start3A_353 = arith.constant 0 : i32
          %dma_start3A_354 = tpu.memref_slice %arg6[%add3A_352, %dma_start3A_353] : memref<112x128xi32, #tpu.memory_space<vmem>> -> memref<1x128xi32, #tpu.memory_space<vmem>>
          %dma_start3A_355 = tpu.memref_squeeze %dma_start3A_354 : memref<1x128xi32, #tpu.memory_space<vmem>> -> memref<128xi32, #tpu.memory_space<vmem>>
          %dma_start3A_356 = arith.constant 0 : i32
          %dma_start3A_357 = arith.constant 0 : i32
          %dma_start3A_358 = tpu.memref_slice %arg4[%dma_start3A_356, %dma_start3A_357] : memref<10000x64xf32, #tpu.memory_space<hbm>> -> memref<10000x64xf32, #tpu.memory_space<hbm>>
          tpu.enqueue_indirect_dma source(%dma_start3A_358 : memref<10000x64xf32, #tpu.memory_space<hbm>>) target(%arg9 : memref<128x64xf32, #tpu.memory_space<vmem>>) offsets(%dma_start3A_355 : memref<128xi32, #tpu.memory_space<vmem>>) semaphore(%arg14 : memref<!tpu.dma_semaphore, #tpu.memory_space<semaphore_mem>>)
        } else {
        }
      }
      %scan3A_229 = arith.constant 28 : i32
      %dma_wait3A_230 = arith.constant 110 : i32
      %dma_wait3A_231 = arith.constant 0 : i32
      %dma_wait3A_232 = tpu.memref_slice %arg7[%dma_wait3A_230, %dma_wait3A_231] : memref<112x128xi32, #tpu.memory_space<vmem>> -> memref<1x128xi32, #tpu.memory_space<vmem>>
      %dma_wait3A_233 = tpu.memref_squeeze %dma_wait3A_232 : memref<1x128xi32, #tpu.memory_space<vmem>> -> memref<128xi32, #tpu.memory_space<vmem>>
      %dma_wait3A_234 = arith.constant 0 : i32
      %dma_wait3A_235 = arith.constant 0 : i32
      %dma_wait3A_236 = tpu.memref_slice %arg12[%dma_wait3A_234, %dma_wait3A_235] : memref<10240x64xf32, #tpu.memory_space<vmem_shared>> -> memref<10240x64xf32, #tpu.memory_space<vmem_shared>>
      tpu.wait_indirect_dma semaphore(%arg19 : memref<!tpu.dma_semaphore, #tpu.memory_space<semaphore_mem>>) src(%arg10 : memref<128x64xf32, #tpu.memory_space<vmem>>) dst(%dma_wait3A_236 : memref<10240x64xf32, #tpu.memory_space<vmem_shared>>)
      %dma_wait3A_237 = arith.constant 111 : i32
      %dma_wait3A_238 = arith.constant 0 : i32
      %dma_wait3A_239 = tpu.memref_slice %arg7[%dma_wait3A_237, %dma_wait3A_238] : memref<112x128xi32, #tpu.memory_space<vmem>> -> memref<1x128xi32, #tpu.memory_space<vmem>>
      %dma_wait3A_240 = tpu.memref_squeeze %dma_wait3A_239 : memref<1x128xi32, #tpu.memory_space<vmem>> -> memref<128xi32, #tpu.memory_space<vmem>>
      %dma_wait3A_241 = arith.constant 0 : i32
      %dma_wait3A_242 = arith.constant 0 : i32
      %dma_wait3A_243 = tpu.memref_slice %arg12[%dma_wait3A_241, %dma_wait3A_242] : memref<10240x64xf32, #tpu.memory_space<vmem_shared>> -> memref<10240x64xf32, #tpu.memory_space<vmem_shared>>
      tpu.wait_indirect_dma semaphore(%arg20 : memref<!tpu.dma_semaphore, #tpu.memory_space<semaphore_mem>>) src(%arg11 : memref<128x64xf32, #tpu.memory_space<vmem>>) dst(%dma_wait3A_243 : memref<10240x64xf32, #tpu.memory_space<vmem_shared>>)
    } else {
    }
    %eq3A_25 = arith.constant 1 : i32
    %eq3A_26 = arith.cmpi eq, %arg0, %eq3A_25 : i32
    %convert_element_type3A_27 = arith.extui %eq3A_26 : i1 to i32
    %cond3A_28 = arith.constant 0 : i32
    %cond3A_29 = arith.cmpi ne, %convert_element_type3A_27, %cond3A_28 : i32
    scf.if %cond3A_29 {
      %mul3A_209 = arith.constant 48 : i32
      %mul3A_210 = arith.muli %arg1, %mul3A_209 : i32
      %add3A_211 = arith.constant 1792 : i32
      %add3A_212 = arith.addi %add3A_211, %mul3A_210 : i32
      "tpu.region"() ({
        %run_scoped3A = tpu.sem_alloc : memref<!tpu.dma_semaphore, #tpu.memory_space<semaphore_mem>>
        %dma_start3A_246 = arith.constant 0 : i32
        %dma_start3A_247 = arith.constant 0 : i32
        %dma_start3A_248 = tpu.memref_slice %arg6[%dma_start3A_246, %dma_start3A_247] : memref<112x128xi32, #tpu.memory_space<vmem>> -> memref<48x128xi32, #tpu.memory_space<vmem>>
        %dma_start3A_249 = arith.constant 0 : i32
        %dma_start3A_250 = tpu.memref_slice %arg2[%add3A_212, %dma_start3A_249] : memref<2560x128xi32, #tpu.memory_space<hbm>> -> memref<48x128xi32, #tpu.memory_space<hbm>>
        %dma_start3A_251 = arith.constant 0 : i32
        %dma_start3A_252 = arith.constant 0 : i32
        %dma_start3A_253 = tpu.memref_slice %arg6[%dma_start3A_251, %dma_start3A_252] : memref<112x128xi32, #tpu.memory_space<vmem>> -> memref<48x128xi32, #tpu.memory_space<vmem>>
        %dma_start3A_254 = arith.constant 0 : i32
        %dma_start3A_255 = tpu.memref_slice %arg2[%add3A_212, %dma_start3A_254] : memref<2560x128xi32, #tpu.memory_space<hbm>> -> memref<48x128xi32, #tpu.memory_space<hbm>>
        tpu.enqueue_dma source(%dma_start3A_255 : memref<48x128xi32, #tpu.memory_space<hbm>>) target(%dma_start3A_253 : memref<48x128xi32, #tpu.memory_space<vmem>>) target_semaphore(%run_scoped3A : memref<!tpu.dma_semaphore, #tpu.memory_space<semaphore_mem>>)
        %dma_wait3A_256 = arith.constant 0 : i32
        %dma_wait3A_257 = arith.constant 0 : i32
        %dma_wait3A_258 = tpu.memref_slice %arg6[%dma_wait3A_256, %dma_wait3A_257] : memref<112x128xi32, #tpu.memory_space<vmem>> -> memref<48x128xi32, #tpu.memory_space<vmem>>
        %dma_wait3A_259 = arith.constant 0 : i32
        %dma_wait3A_260 = tpu.memref_slice %arg2[%add3A_212, %dma_wait3A_259] : memref<2560x128xi32, #tpu.memory_space<hbm>> -> memref<48x128xi32, #tpu.memory_space<hbm>>
        %dma_wait3A_261 = arith.constant 0 : i32
        %dma_wait3A_262 = arith.constant 0 : i32
        %dma_wait3A_263 = tpu.memref_slice %arg6[%dma_wait3A_261, %dma_wait3A_262] : memref<112x128xi32, #tpu.memory_space<vmem>> -> memref<48x128xi32, #tpu.memory_space<vmem>>
        %dma_wait3A_264 = arith.constant 0 : i32
        %dma_wait3A_265 = tpu.memref_slice %arg2[%add3A_212, %dma_wait3A_264] : memref<2560x128xi32, #tpu.memory_space<hbm>> -> memref<48x128xi32, #tpu.memory_space<hbm>>
        tpu.wait_dma2 semaphore(%run_scoped3A : memref<!tpu.dma_semaphore, #tpu.memory_space<semaphore_mem>>) src(%dma_wait3A_265 : memref<48x128xi32, #tpu.memory_space<hbm>>) dst(%dma_wait3A_263 : memref<48x128xi32, #tpu.memory_space<vmem>>)
        tpu.yield
      }) : () -> ()
      "tpu.region"() ({
        %run_scoped3A = tpu.sem_alloc : memref<!tpu.dma_semaphore, #tpu.memory_space<semaphore_mem>>
        %dma_start3A_246 = arith.constant 0 : i32
        %dma_start3A_247 = arith.constant 0 : i32
        %dma_start3A_248 = tpu.memref_slice %arg7[%dma_start3A_246, %dma_start3A_247] : memref<112x128xi32, #tpu.memory_space<vmem>> -> memref<48x128xi32, #tpu.memory_space<vmem>>
        %dma_start3A_249 = arith.constant 0 : i32
        %dma_start3A_250 = tpu.memref_slice %arg3[%add3A_212, %dma_start3A_249] : memref<2560x128xi32, #tpu.memory_space<hbm>> -> memref<48x128xi32, #tpu.memory_space<hbm>>
        %dma_start3A_251 = arith.constant 0 : i32
        %dma_start3A_252 = arith.constant 0 : i32
        %dma_start3A_253 = tpu.memref_slice %arg7[%dma_start3A_251, %dma_start3A_252] : memref<112x128xi32, #tpu.memory_space<vmem>> -> memref<48x128xi32, #tpu.memory_space<vmem>>
        %dma_start3A_254 = arith.constant 0 : i32
        %dma_start3A_255 = tpu.memref_slice %arg3[%add3A_212, %dma_start3A_254] : memref<2560x128xi32, #tpu.memory_space<hbm>> -> memref<48x128xi32, #tpu.memory_space<hbm>>
        tpu.enqueue_dma source(%dma_start3A_255 : memref<48x128xi32, #tpu.memory_space<hbm>>) target(%dma_start3A_253 : memref<48x128xi32, #tpu.memory_space<vmem>>) target_semaphore(%run_scoped3A : memref<!tpu.dma_semaphore, #tpu.memory_space<semaphore_mem>>)
        %dma_wait3A_256 = arith.constant 0 : i32
        %dma_wait3A_257 = arith.constant 0 : i32
        %dma_wait3A_258 = tpu.memref_slice %arg7[%dma_wait3A_256, %dma_wait3A_257] : memref<112x128xi32, #tpu.memory_space<vmem>> -> memref<48x128xi32, #tpu.memory_space<vmem>>
        %dma_wait3A_259 = arith.constant 0 : i32
        %dma_wait3A_260 = tpu.memref_slice %arg3[%add3A_212, %dma_wait3A_259] : memref<2560x128xi32, #tpu.memory_space<hbm>> -> memref<48x128xi32, #tpu.memory_space<hbm>>
        %dma_wait3A_261 = arith.constant 0 : i32
        %dma_wait3A_262 = arith.constant 0 : i32
        %dma_wait3A_263 = tpu.memref_slice %arg7[%dma_wait3A_261, %dma_wait3A_262] : memref<112x128xi32, #tpu.memory_space<vmem>> -> memref<48x128xi32, #tpu.memory_space<vmem>>
        %dma_wait3A_264 = arith.constant 0 : i32
        %dma_wait3A_265 = tpu.memref_slice %arg3[%add3A_212, %dma_wait3A_264] : memref<2560x128xi32, #tpu.memory_space<hbm>> -> memref<48x128xi32, #tpu.memory_space<hbm>>
        tpu.wait_dma2 semaphore(%run_scoped3A : memref<!tpu.dma_semaphore, #tpu.memory_space<semaphore_mem>>) src(%dma_wait3A_265 : memref<48x128xi32, #tpu.memory_space<hbm>>) dst(%dma_wait3A_263 : memref<48x128xi32, #tpu.memory_space<vmem>>)
        tpu.yield
      }) : () -> ()
      %dma_start3A_213 = arith.constant 0 : i32
      %dma_start3A_214 = arith.constant 0 : i32
      %dma_start3A_215 = tpu.memref_slice %arg6[%dma_start3A_213, %dma_start3A_214] : memref<112x128xi32, #tpu.memory_space<vmem>> -> memref<1x128xi32, #tpu.memory_space<vmem>>
      %dma_start3A_216 = tpu.memref_squeeze %dma_start3A_215 : memref<1x128xi32, #tpu.memory_space<vmem>> -> memref<128xi32, #tpu.memory_space<vmem>>
      %dma_start3A_217 = arith.constant 0 : i32
      %dma_start3A_218 = arith.constant 0 : i32
      %dma_start3A_219 = tpu.memref_slice %arg4[%dma_start3A_217, %dma_start3A_218] : memref<10000x64xf32, #tpu.memory_space<hbm>> -> memref<10000x64xf32, #tpu.memory_space<hbm>>
      tpu.enqueue_indirect_dma source(%dma_start3A_219 : memref<10000x64xf32, #tpu.memory_space<hbm>>) target(%arg8 : memref<128x64xf32, #tpu.memory_space<vmem>>) offsets(%dma_start3A_216 : memref<128xi32, #tpu.memory_space<vmem>>) semaphore(%arg13 : memref<!tpu.dma_semaphore, #tpu.memory_space<semaphore_mem>>)
      %dma_start3A_220 = arith.constant 1 : i32
      %dma_start3A_221 = arith.constant 0 : i32
      %dma_start3A_222 = tpu.memref_slice %arg6[%dma_start3A_220, %dma_start3A_221] : memref<112x128xi32, #tpu.memory_space<vmem>> -> memref<1x128xi32, #tpu.memory_space<vmem>>
      %dma_start3A_223 = tpu.memref_squeeze %dma_start3A_222 : memref<1x128xi32, #tpu.memory_space<vmem>> -> memref<128xi32, #tpu.memory_space<vmem>>
      %dma_start3A_224 = arith.constant 0 : i32
      %dma_start3A_225 = arith.constant 0 : i32
      %dma_start3A_226 = tpu.memref_slice %arg4[%dma_start3A_224, %dma_start3A_225] : memref<10000x64xf32, #tpu.memory_space<hbm>> -> memref<10000x64xf32, #tpu.memory_space<hbm>>
      tpu.enqueue_indirect_dma source(%dma_start3A_226 : memref<10000x64xf32, #tpu.memory_space<hbm>>) target(%arg9 : memref<128x64xf32, #tpu.memory_space<vmem>>) offsets(%dma_start3A_223 : memref<128xi32, #tpu.memory_space<vmem>>) semaphore(%arg14 : memref<!tpu.dma_semaphore, #tpu.memory_space<semaphore_mem>>)
      %scan3A_227 = arith.constant 0 : i32
      %scan3A_228 = arith.constant 12 : i32
      %scan3A_229 = arith.addi %scan3A_227, %scan3A_228 : i32
      %scan3A_230 = arith.constant 1 : i32
      scf.for %scan3A_246 = %scan3A_227 to %scan3A_229 step %scan3A_230  : i32 {
        %mul3A_247 = arith.constant 4 : i32
        %mul3A_248 = arith.muli %scan3A_246, %mul3A_247 : i32
        %add3A_249 = arith.constant 0 : i32
        %add3A_250 = arith.addi %add3A_249, %mul3A_248 : i32
        %add3A_251 = arith.constant 0 : i32
        %add3A_252 = arith.addi %add3A_250, %add3A_251 : i32
        %dma_wait3A_253 = arith.constant 0 : i32
        %dma_wait3A_254 = tpu.memref_slice %arg6[%add3A_252, %dma_wait3A_253] : memref<112x128xi32, #tpu.memory_space<vmem>> -> memref<1x128xi32, #tpu.memory_space<vmem>>
        %dma_wait3A_255 = tpu.memref_squeeze %dma_wait3A_254 : memref<1x128xi32, #tpu.memory_space<vmem>> -> memref<128xi32, #tpu.memory_space<vmem>>
        %dma_wait3A_256 = arith.constant 0 : i32
        %dma_wait3A_257 = arith.constant 0 : i32
        %dma_wait3A_258 = tpu.memref_slice %arg4[%dma_wait3A_256, %dma_wait3A_257] : memref<10000x64xf32, #tpu.memory_space<hbm>> -> memref<10000x64xf32, #tpu.memory_space<hbm>>
        tpu.wait_indirect_dma semaphore(%arg13 : memref<!tpu.dma_semaphore, #tpu.memory_space<semaphore_mem>>) src(%dma_wait3A_258 : memref<10000x64xf32, #tpu.memory_space<hbm>>) dst(%arg8 : memref<128x64xf32, #tpu.memory_space<vmem>>)
        %dma_start3A_259 = arith.constant 0 : i32
        %dma_start3A_260 = tpu.memref_slice %arg7[%add3A_252, %dma_start3A_259] : memref<112x128xi32, #tpu.memory_space<vmem>> -> memref<1x128xi32, #tpu.memory_space<vmem>>
        %dma_start3A_261 = tpu.memref_squeeze %dma_start3A_260 : memref<1x128xi32, #tpu.memory_space<vmem>> -> memref<128xi32, #tpu.memory_space<vmem>>
        %dma_start3A_262 = arith.constant 0 : i32
        %dma_start3A_263 = arith.constant 0 : i32
        %dma_start3A_264 = tpu.memref_slice %arg12[%dma_start3A_262, %dma_start3A_263] : memref<10240x64xf32, #tpu.memory_space<vmem_shared>> -> memref<10240x64xf32, #tpu.memory_space<vmem_shared>>
        tpu.enqueue_indirect_dma source(%arg8 : memref<128x64xf32, #tpu.memory_space<vmem>>) target(%dma_start3A_264 : memref<10240x64xf32, #tpu.memory_space<vmem_shared>>) offsets(%dma_start3A_261 : memref<128xi32, #tpu.memory_space<vmem>>) semaphore(%arg17 : memref<!tpu.dma_semaphore, #tpu.memory_space<semaphore_mem>>) {add = true}
        %ge3A = arith.constant 2 : i32
        %ge3A_265 = arith.cmpi sge, %add3A_252, %ge3A : i32
        %convert_element_type3A_266 = arith.extui %ge3A_265 : i1 to i32
        %cond3A_267 = arith.constant 0 : i32
        %cond3A_268 = arith.cmpi ne, %convert_element_type3A_266, %cond3A_267 : i32
        scf.if %cond3A_268 {
          %sub3A = arith.constant 2 : i32
          %sub3A_353 = arith.subi %add3A_252, %sub3A : i32
          %dma_wait3A_354 = arith.constant 0 : i32
          %dma_wait3A_355 = tpu.memref_slice %arg7[%sub3A_353, %dma_wait3A_354] : memref<112x128xi32, #tpu.memory_space<vmem>> -> memref<1x128xi32, #tpu.memory_space<vmem>>
          %dma_wait3A_356 = tpu.memref_squeeze %dma_wait3A_355 : memref<1x128xi32, #tpu.memory_space<vmem>> -> memref<128xi32, #tpu.memory_space<vmem>>
          %dma_wait3A_357 = arith.constant 0 : i32
          %dma_wait3A_358 = arith.constant 0 : i32
          %dma_wait3A_359 = tpu.memref_slice %arg12[%dma_wait3A_357, %dma_wait3A_358] : memref<10240x64xf32, #tpu.memory_space<vmem_shared>> -> memref<10240x64xf32, #tpu.memory_space<vmem_shared>>
          tpu.wait_indirect_dma semaphore(%arg19 : memref<!tpu.dma_semaphore, #tpu.memory_space<semaphore_mem>>) src(%arg10 : memref<128x64xf32, #tpu.memory_space<vmem>>) dst(%dma_wait3A_359 : memref<10240x64xf32, #tpu.memory_space<vmem_shared>>)
        } else {
        }
        %add3A_269 = arith.constant 2 : i32
        %add3A_270 = arith.addi %add3A_252, %add3A_269 : i32
        %lt3A = arith.constant 48 : i32
        %lt3A_271 = arith.cmpi slt, %add3A_270, %lt3A : i32
        %convert_element_type3A_272 = arith.extui %lt3A_271 : i1 to i32
        %cond3A_273 = arith.constant 0 : i32
        %cond3A_274 = arith.cmpi ne, %convert_element_type3A_272, %cond3A_273 : i32
        scf.if %cond3A_274 {
          %add3A_353 = arith.constant 2 : i32
          %add3A_354 = arith.addi %add3A_252, %add3A_353 : i32
          %dma_start3A_355 = arith.constant 0 : i32
          %dma_start3A_356 = tpu.memref_slice %arg6[%add3A_354, %dma_start3A_355] : memref<112x128xi32, #tpu.memory_space<vmem>> -> memref<1x128xi32, #tpu.memory_space<vmem>>
          %dma_start3A_357 = tpu.memref_squeeze %dma_start3A_356 : memref<1x128xi32, #tpu.memory_space<vmem>> -> memref<128xi32, #tpu.memory_space<vmem>>
          %dma_start3A_358 = arith.constant 0 : i32
          %dma_start3A_359 = arith.constant 0 : i32
          %dma_start3A_360 = tpu.memref_slice %arg4[%dma_start3A_358, %dma_start3A_359] : memref<10000x64xf32, #tpu.memory_space<hbm>> -> memref<10000x64xf32, #tpu.memory_space<hbm>>
          tpu.enqueue_indirect_dma source(%dma_start3A_360 : memref<10000x64xf32, #tpu.memory_space<hbm>>) target(%arg10 : memref<128x64xf32, #tpu.memory_space<vmem>>) offsets(%dma_start3A_357 : memref<128xi32, #tpu.memory_space<vmem>>) semaphore(%arg15 : memref<!tpu.dma_semaphore, #tpu.memory_space<semaphore_mem>>)
        } else {
        }
        %add3A_275 = arith.constant 1 : i32
        %add3A_276 = arith.addi %add3A_250, %add3A_275 : i32
        %dma_wait3A_277 = arith.constant 0 : i32
        %dma_wait3A_278 = tpu.memref_slice %arg6[%add3A_276, %dma_wait3A_277] : memref<112x128xi32, #tpu.memory_space<vmem>> -> memref<1x128xi32, #tpu.memory_space<vmem>>
        %dma_wait3A_279 = tpu.memref_squeeze %dma_wait3A_278 : memref<1x128xi32, #tpu.memory_space<vmem>> -> memref<128xi32, #tpu.memory_space<vmem>>
        %dma_wait3A_280 = arith.constant 0 : i32
        %dma_wait3A_281 = arith.constant 0 : i32
        %dma_wait3A_282 = tpu.memref_slice %arg4[%dma_wait3A_280, %dma_wait3A_281] : memref<10000x64xf32, #tpu.memory_space<hbm>> -> memref<10000x64xf32, #tpu.memory_space<hbm>>
        tpu.wait_indirect_dma semaphore(%arg14 : memref<!tpu.dma_semaphore, #tpu.memory_space<semaphore_mem>>) src(%dma_wait3A_282 : memref<10000x64xf32, #tpu.memory_space<hbm>>) dst(%arg9 : memref<128x64xf32, #tpu.memory_space<vmem>>)
        %dma_start3A_283 = arith.constant 0 : i32
        %dma_start3A_284 = tpu.memref_slice %arg7[%add3A_276, %dma_start3A_283] : memref<112x128xi32, #tpu.memory_space<vmem>> -> memref<1x128xi32, #tpu.memory_space<vmem>>
        %dma_start3A_285 = tpu.memref_squeeze %dma_start3A_284 : memref<1x128xi32, #tpu.memory_space<vmem>> -> memref<128xi32, #tpu.memory_space<vmem>>
        %dma_start3A_286 = arith.constant 0 : i32
        %dma_start3A_287 = arith.constant 0 : i32
        %dma_start3A_288 = tpu.memref_slice %arg12[%dma_start3A_286, %dma_start3A_287] : memref<10240x64xf32, #tpu.memory_space<vmem_shared>> -> memref<10240x64xf32, #tpu.memory_space<vmem_shared>>
        tpu.enqueue_indirect_dma source(%arg9 : memref<128x64xf32, #tpu.memory_space<vmem>>) target(%dma_start3A_288 : memref<10240x64xf32, #tpu.memory_space<vmem_shared>>) offsets(%dma_start3A_285 : memref<128xi32, #tpu.memory_space<vmem>>) semaphore(%arg18 : memref<!tpu.dma_semaphore, #tpu.memory_space<semaphore_mem>>) {add = true}
        %ge3A_289 = arith.constant 2 : i32
        %ge3A_290 = arith.cmpi sge, %add3A_276, %ge3A_289 : i32
        %convert_element_type3A_291 = arith.extui %ge3A_290 : i1 to i32
        %cond3A_292 = arith.constant 0 : i32
        %cond3A_293 = arith.cmpi ne, %convert_element_type3A_291, %cond3A_292 : i32
        scf.if %cond3A_293 {
          %sub3A = arith.constant 2 : i32
          %sub3A_353 = arith.subi %add3A_276, %sub3A : i32
          %dma_wait3A_354 = arith.constant 0 : i32
          %dma_wait3A_355 = tpu.memref_slice %arg7[%sub3A_353, %dma_wait3A_354] : memref<112x128xi32, #tpu.memory_space<vmem>> -> memref<1x128xi32, #tpu.memory_space<vmem>>
          %dma_wait3A_356 = tpu.memref_squeeze %dma_wait3A_355 : memref<1x128xi32, #tpu.memory_space<vmem>> -> memref<128xi32, #tpu.memory_space<vmem>>
          %dma_wait3A_357 = arith.constant 0 : i32
          %dma_wait3A_358 = arith.constant 0 : i32
          %dma_wait3A_359 = tpu.memref_slice %arg12[%dma_wait3A_357, %dma_wait3A_358] : memref<10240x64xf32, #tpu.memory_space<vmem_shared>> -> memref<10240x64xf32, #tpu.memory_space<vmem_shared>>
          tpu.wait_indirect_dma semaphore(%arg20 : memref<!tpu.dma_semaphore, #tpu.memory_space<semaphore_mem>>) src(%arg11 : memref<128x64xf32, #tpu.memory_space<vmem>>) dst(%dma_wait3A_359 : memref<10240x64xf32, #tpu.memory_space<vmem_shared>>)
        } else {
        }
        %add3A_294 = arith.constant 2 : i32
        %add3A_295 = arith.addi %add3A_276, %add3A_294 : i32
        %lt3A_296 = arith.constant 48 : i32
        %lt3A_297 = arith.cmpi slt, %add3A_295, %lt3A_296 : i32
        %convert_element_type3A_298 = arith.extui %lt3A_297 : i1 to i32
        %cond3A_299 = arith.constant 0 : i32
        %cond3A_300 = arith.cmpi ne, %convert_element_type3A_298, %cond3A_299 : i32
        scf.if %cond3A_300 {
          %add3A_353 = arith.constant 2 : i32
          %add3A_354 = arith.addi %add3A_276, %add3A_353 : i32
          %dma_start3A_355 = arith.constant 0 : i32
          %dma_start3A_356 = tpu.memref_slice %arg6[%add3A_354, %dma_start3A_355] : memref<112x128xi32, #tpu.memory_space<vmem>> -> memref<1x128xi32, #tpu.memory_space<vmem>>
          %dma_start3A_357 = tpu.memref_squeeze %dma_start3A_356 : memref<1x128xi32, #tpu.memory_space<vmem>> -> memref<128xi32, #tpu.memory_space<vmem>>
          %dma_start3A_358 = arith.constant 0 : i32
          %dma_start3A_359 = arith.constant 0 : i32
          %dma_start3A_360 = tpu.memref_slice %arg4[%dma_start3A_358, %dma_start3A_359] : memref<10000x64xf32, #tpu.memory_space<hbm>> -> memref<10000x64xf32, #tpu.memory_space<hbm>>
          tpu.enqueue_indirect_dma source(%dma_start3A_360 : memref<10000x64xf32, #tpu.memory_space<hbm>>) target(%arg11 : memref<128x64xf32, #tpu.memory_space<vmem>>) offsets(%dma_start3A_357 : memref<128xi32, #tpu.memory_space<vmem>>) semaphore(%arg16 : memref<!tpu.dma_semaphore, #tpu.memory_space<semaphore_mem>>)
        } else {
        }
        %add3A_301 = arith.constant 2 : i32
        %add3A_302 = arith.addi %add3A_250, %add3A_301 : i32
        %dma_wait3A_303 = arith.constant 0 : i32
        %dma_wait3A_304 = tpu.memref_slice %arg6[%add3A_302, %dma_wait3A_303] : memref<112x128xi32, #tpu.memory_space<vmem>> -> memref<1x128xi32, #tpu.memory_space<vmem>>
        %dma_wait3A_305 = tpu.memref_squeeze %dma_wait3A_304 : memref<1x128xi32, #tpu.memory_space<vmem>> -> memref<128xi32, #tpu.memory_space<vmem>>
        %dma_wait3A_306 = arith.constant 0 : i32
        %dma_wait3A_307 = arith.constant 0 : i32
        %dma_wait3A_308 = tpu.memref_slice %arg4[%dma_wait3A_306, %dma_wait3A_307] : memref<10000x64xf32, #tpu.memory_space<hbm>> -> memref<10000x64xf32, #tpu.memory_space<hbm>>
        tpu.wait_indirect_dma semaphore(%arg15 : memref<!tpu.dma_semaphore, #tpu.memory_space<semaphore_mem>>) src(%dma_wait3A_308 : memref<10000x64xf32, #tpu.memory_space<hbm>>) dst(%arg10 : memref<128x64xf32, #tpu.memory_space<vmem>>)
        %dma_start3A_309 = arith.constant 0 : i32
        %dma_start3A_310 = tpu.memref_slice %arg7[%add3A_302, %dma_start3A_309] : memref<112x128xi32, #tpu.memory_space<vmem>> -> memref<1x128xi32, #tpu.memory_space<vmem>>
        %dma_start3A_311 = tpu.memref_squeeze %dma_start3A_310 : memref<1x128xi32, #tpu.memory_space<vmem>> -> memref<128xi32, #tpu.memory_space<vmem>>
        %dma_start3A_312 = arith.constant 0 : i32
        %dma_start3A_313 = arith.constant 0 : i32
        %dma_start3A_314 = tpu.memref_slice %arg12[%dma_start3A_312, %dma_start3A_313] : memref<10240x64xf32, #tpu.memory_space<vmem_shared>> -> memref<10240x64xf32, #tpu.memory_space<vmem_shared>>
        tpu.enqueue_indirect_dma source(%arg10 : memref<128x64xf32, #tpu.memory_space<vmem>>) target(%dma_start3A_314 : memref<10240x64xf32, #tpu.memory_space<vmem_shared>>) offsets(%dma_start3A_311 : memref<128xi32, #tpu.memory_space<vmem>>) semaphore(%arg19 : memref<!tpu.dma_semaphore, #tpu.memory_space<semaphore_mem>>) {add = true}
        %ge3A_315 = arith.constant 2 : i32
        %ge3A_316 = arith.cmpi sge, %add3A_302, %ge3A_315 : i32
        %convert_element_type3A_317 = arith.extui %ge3A_316 : i1 to i32
        %cond3A_318 = arith.constant 0 : i32
        %cond3A_319 = arith.cmpi ne, %convert_element_type3A_317, %cond3A_318 : i32
        scf.if %cond3A_319 {
          %sub3A = arith.constant 2 : i32
          %sub3A_353 = arith.subi %add3A_302, %sub3A : i32
          %dma_wait3A_354 = arith.constant 0 : i32
          %dma_wait3A_355 = tpu.memref_slice %arg7[%sub3A_353, %dma_wait3A_354] : memref<112x128xi32, #tpu.memory_space<vmem>> -> memref<1x128xi32, #tpu.memory_space<vmem>>
          %dma_wait3A_356 = tpu.memref_squeeze %dma_wait3A_355 : memref<1x128xi32, #tpu.memory_space<vmem>> -> memref<128xi32, #tpu.memory_space<vmem>>
          %dma_wait3A_357 = arith.constant 0 : i32
          %dma_wait3A_358 = arith.constant 0 : i32
          %dma_wait3A_359 = tpu.memref_slice %arg12[%dma_wait3A_357, %dma_wait3A_358] : memref<10240x64xf32, #tpu.memory_space<vmem_shared>> -> memref<10240x64xf32, #tpu.memory_space<vmem_shared>>
          tpu.wait_indirect_dma semaphore(%arg17 : memref<!tpu.dma_semaphore, #tpu.memory_space<semaphore_mem>>) src(%arg8 : memref<128x64xf32, #tpu.memory_space<vmem>>) dst(%dma_wait3A_359 : memref<10240x64xf32, #tpu.memory_space<vmem_shared>>)
        } else {
        }
        %add3A_320 = arith.constant 2 : i32
        %add3A_321 = arith.addi %add3A_302, %add3A_320 : i32
        %lt3A_322 = arith.constant 48 : i32
        %lt3A_323 = arith.cmpi slt, %add3A_321, %lt3A_322 : i32
        %convert_element_type3A_324 = arith.extui %lt3A_323 : i1 to i32
        %cond3A_325 = arith.constant 0 : i32
        %cond3A_326 = arith.cmpi ne, %convert_element_type3A_324, %cond3A_325 : i32
        scf.if %cond3A_326 {
          %add3A_353 = arith.constant 2 : i32
          %add3A_354 = arith.addi %add3A_302, %add3A_353 : i32
          %dma_start3A_355 = arith.constant 0 : i32
          %dma_start3A_356 = tpu.memref_slice %arg6[%add3A_354, %dma_start3A_355] : memref<112x128xi32, #tpu.memory_space<vmem>> -> memref<1x128xi32, #tpu.memory_space<vmem>>
          %dma_start3A_357 = tpu.memref_squeeze %dma_start3A_356 : memref<1x128xi32, #tpu.memory_space<vmem>> -> memref<128xi32, #tpu.memory_space<vmem>>
          %dma_start3A_358 = arith.constant 0 : i32
          %dma_start3A_359 = arith.constant 0 : i32
          %dma_start3A_360 = tpu.memref_slice %arg4[%dma_start3A_358, %dma_start3A_359] : memref<10000x64xf32, #tpu.memory_space<hbm>> -> memref<10000x64xf32, #tpu.memory_space<hbm>>
          tpu.enqueue_indirect_dma source(%dma_start3A_360 : memref<10000x64xf32, #tpu.memory_space<hbm>>) target(%arg8 : memref<128x64xf32, #tpu.memory_space<vmem>>) offsets(%dma_start3A_357 : memref<128xi32, #tpu.memory_space<vmem>>) semaphore(%arg13 : memref<!tpu.dma_semaphore, #tpu.memory_space<semaphore_mem>>)
        } else {
        }
        %add3A_327 = arith.constant 3 : i32
        %add3A_328 = arith.addi %add3A_250, %add3A_327 : i32
        %dma_wait3A_329 = arith.constant 0 : i32
        %dma_wait3A_330 = tpu.memref_slice %arg6[%add3A_328, %dma_wait3A_329] : memref<112x128xi32, #tpu.memory_space<vmem>> -> memref<1x128xi32, #tpu.memory_space<vmem>>
        %dma_wait3A_331 = tpu.memref_squeeze %dma_wait3A_330 : memref<1x128xi32, #tpu.memory_space<vmem>> -> memref<128xi32, #tpu.memory_space<vmem>>
        %dma_wait3A_332 = arith.constant 0 : i32
        %dma_wait3A_333 = arith.constant 0 : i32
        %dma_wait3A_334 = tpu.memref_slice %arg4[%dma_wait3A_332, %dma_wait3A_333] : memref<10000x64xf32, #tpu.memory_space<hbm>> -> memref<10000x64xf32, #tpu.memory_space<hbm>>
        tpu.wait_indirect_dma semaphore(%arg16 : memref<!tpu.dma_semaphore, #tpu.memory_space<semaphore_mem>>) src(%dma_wait3A_334 : memref<10000x64xf32, #tpu.memory_space<hbm>>) dst(%arg11 : memref<128x64xf32, #tpu.memory_space<vmem>>)
        %dma_start3A_335 = arith.constant 0 : i32
        %dma_start3A_336 = tpu.memref_slice %arg7[%add3A_328, %dma_start3A_335] : memref<112x128xi32, #tpu.memory_space<vmem>> -> memref<1x128xi32, #tpu.memory_space<vmem>>
        %dma_start3A_337 = tpu.memref_squeeze %dma_start3A_336 : memref<1x128xi32, #tpu.memory_space<vmem>> -> memref<128xi32, #tpu.memory_space<vmem>>
        %dma_start3A_338 = arith.constant 0 : i32
        %dma_start3A_339 = arith.constant 0 : i32
        %dma_start3A_340 = tpu.memref_slice %arg12[%dma_start3A_338, %dma_start3A_339] : memref<10240x64xf32, #tpu.memory_space<vmem_shared>> -> memref<10240x64xf32, #tpu.memory_space<vmem_shared>>
        tpu.enqueue_indirect_dma source(%arg11 : memref<128x64xf32, #tpu.memory_space<vmem>>) target(%dma_start3A_340 : memref<10240x64xf32, #tpu.memory_space<vmem_shared>>) offsets(%dma_start3A_337 : memref<128xi32, #tpu.memory_space<vmem>>) semaphore(%arg20 : memref<!tpu.dma_semaphore, #tpu.memory_space<semaphore_mem>>) {add = true}
        %ge3A_341 = arith.constant 2 : i32
        %ge3A_342 = arith.cmpi sge, %add3A_328, %ge3A_341 : i32
        %convert_element_type3A_343 = arith.extui %ge3A_342 : i1 to i32
        %cond3A_344 = arith.constant 0 : i32
        %cond3A_345 = arith.cmpi ne, %convert_element_type3A_343, %cond3A_344 : i32
        scf.if %cond3A_345 {
          %sub3A = arith.constant 2 : i32
          %sub3A_353 = arith.subi %add3A_328, %sub3A : i32
          %dma_wait3A_354 = arith.constant 0 : i32
          %dma_wait3A_355 = tpu.memref_slice %arg7[%sub3A_353, %dma_wait3A_354] : memref<112x128xi32, #tpu.memory_space<vmem>> -> memref<1x128xi32, #tpu.memory_space<vmem>>
          %dma_wait3A_356 = tpu.memref_squeeze %dma_wait3A_355 : memref<1x128xi32, #tpu.memory_space<vmem>> -> memref<128xi32, #tpu.memory_space<vmem>>
          %dma_wait3A_357 = arith.constant 0 : i32
          %dma_wait3A_358 = arith.constant 0 : i32
          %dma_wait3A_359 = tpu.memref_slice %arg12[%dma_wait3A_357, %dma_wait3A_358] : memref<10240x64xf32, #tpu.memory_space<vmem_shared>> -> memref<10240x64xf32, #tpu.memory_space<vmem_shared>>
          tpu.wait_indirect_dma semaphore(%arg18 : memref<!tpu.dma_semaphore, #tpu.memory_space<semaphore_mem>>) src(%arg9 : memref<128x64xf32, #tpu.memory_space<vmem>>) dst(%dma_wait3A_359 : memref<10240x64xf32, #tpu.memory_space<vmem_shared>>)
        } else {
        }
        %add3A_346 = arith.constant 2 : i32
        %add3A_347 = arith.addi %add3A_328, %add3A_346 : i32
        %lt3A_348 = arith.constant 48 : i32
        %lt3A_349 = arith.cmpi slt, %add3A_347, %lt3A_348 : i32
        %convert_element_type3A_350 = arith.extui %lt3A_349 : i1 to i32
        %cond3A_351 = arith.constant 0 : i32
        %cond3A_352 = arith.cmpi ne, %convert_element_type3A_350, %cond3A_351 : i32
        scf.if %cond3A_352 {
          %add3A_353 = arith.constant 2 : i32
          %add3A_354 = arith.addi %add3A_328, %add3A_353 : i32
          %dma_start3A_355 = arith.constant 0 : i32
          %dma_start3A_356 = tpu.memref_slice %arg6[%add3A_354, %dma_start3A_355] : memref<112x128xi32, #tpu.memory_space<vmem>> -> memref<1x128xi32, #tpu.memory_space<vmem>>
          %dma_start3A_357 = tpu.memref_squeeze %dma_start3A_356 : memref<1x128xi32, #tpu.memory_space<vmem>> -> memref<128xi32, #tpu.memory_space<vmem>>
          %dma_start3A_358 = arith.constant 0 : i32
          %dma_start3A_359 = arith.constant 0 : i32
          %dma_start3A_360 = tpu.memref_slice %arg4[%dma_start3A_358, %dma_start3A_359] : memref<10000x64xf32, #tpu.memory_space<hbm>> -> memref<10000x64xf32, #tpu.memory_space<hbm>>
          tpu.enqueue_indirect_dma source(%dma_start3A_360 : memref<10000x64xf32, #tpu.memory_space<hbm>>) target(%arg9 : memref<128x64xf32, #tpu.memory_space<vmem>>) offsets(%dma_start3A_357 : memref<128xi32, #tpu.memory_space<vmem>>) semaphore(%arg14 : memref<!tpu.dma_semaphore, #tpu.memory_space<semaphore_mem>>)
        } else {
        }
      }
      %scan3A_231 = arith.constant 12 : i32
      %dma_wait3A_232 = arith.constant 46 : i32
      %dma_wait3A_233 = arith.constant 0 : i32
      %dma_wait3A_234 = tpu.memref_slice %arg7[%dma_wait3A_232, %dma_wait3A_233] : memref<112x128xi32, #tpu.memory_space<vmem>> -> memref<1x128xi32, #tpu.memory_space<vmem>>
      %dma_wait3A_235 = tpu.memref_squeeze %dma_wait3A_234 : memref<1x128xi32, #tpu.memory_space<vmem>> -> memref<128xi32, #tpu.memory_space<vmem>>
      %dma_wait3A_236 = arith.constant 0 : i32
      %dma_wait3A_237 = arith.constant 0 : i32
      %dma_wait3A_238 = tpu.memref_slice %arg12[%dma_wait3A_236, %dma_wait3A_237] : memref<10240x64xf32, #tpu.memory_space<vmem_shared>> -> memref<10240x64xf32, #tpu.memory_space<vmem_shared>>
      tpu.wait_indirect_dma semaphore(%arg19 : memref<!tpu.dma_semaphore, #tpu.memory_space<semaphore_mem>>) src(%arg10 : memref<128x64xf32, #tpu.memory_space<vmem>>) dst(%dma_wait3A_238 : memref<10240x64xf32, #tpu.memory_space<vmem_shared>>)
      %dma_wait3A_239 = arith.constant 47 : i32
      %dma_wait3A_240 = arith.constant 0 : i32
      %dma_wait3A_241 = tpu.memref_slice %arg7[%dma_wait3A_239, %dma_wait3A_240] : memref<112x128xi32, #tpu.memory_space<vmem>> -> memref<1x128xi32, #tpu.memory_space<vmem>>
      %dma_wait3A_242 = tpu.memref_squeeze %dma_wait3A_241 : memref<1x128xi32, #tpu.memory_space<vmem>> -> memref<128xi32, #tpu.memory_space<vmem>>
      %dma_wait3A_243 = arith.constant 0 : i32
      %dma_wait3A_244 = arith.constant 0 : i32
      %dma_wait3A_245 = tpu.memref_slice %arg12[%dma_wait3A_243, %dma_wait3A_244] : memref<10240x64xf32, #tpu.memory_space<vmem_shared>> -> memref<10240x64xf32, #tpu.memory_space<vmem_shared>>
      tpu.wait_indirect_dma semaphore(%arg20 : memref<!tpu.dma_semaphore, #tpu.memory_space<semaphore_mem>>) src(%arg11 : memref<128x64xf32, #tpu.memory_space<vmem>>) dst(%dma_wait3A_245 : memref<10240x64xf32, #tpu.memory_space<vmem_shared>>)
    } else {
    }
    %barrier3A_30 = arith.constant 0 : index
    tpu.barrier barrier_id(%barrier3A_30)
    %mul3A_31 = arith.constant 640 : i32
    %mul3A_32 = arith.muli %arg1, %mul3A_31 : i32
    %add3A_33 = arith.constant 0 : i32
    %add3A_34 = arith.addi %mul3A_32, %add3A_33 : i32
    %dma_start3A = arith.constant 0 : i32
    %dma_start3A_35 = tpu.memref_slice %arg12[%add3A_34, %dma_start3A] : memref<10240x64xf32, #tpu.memory_space<vmem_shared>> -> memref<128x64xf32, #tpu.memory_space<vmem_shared>>
    %dma_start3A_36 = arith.constant 0 : i32
    %dma_start3A_37 = tpu.memref_slice %arg12[%add3A_34, %dma_start3A_36] : memref<10240x64xf32, #tpu.memory_space<vmem_shared>> -> memref<128x64xf32, #tpu.memory_space<vmem_shared>>
    tpu.enqueue_dma source(%dma_start3A_37 : memref<128x64xf32, #tpu.memory_space<vmem_shared>>) target(%arg8 : memref<128x64xf32, #tpu.memory_space<vmem>>) target_semaphore(%arg13 : memref<!tpu.dma_semaphore, #tpu.memory_space<semaphore_mem>>)
    %mul3A_38 = arith.constant 640 : i32
    %mul3A_39 = arith.muli %arg1, %mul3A_38 : i32
    %add3A_40 = arith.constant 128 : i32
    %add3A_41 = arith.addi %mul3A_39, %add3A_40 : i32
    %dma_start3A_42 = arith.constant 0 : i32
    %dma_start3A_43 = tpu.memref_slice %arg12[%add3A_41, %dma_start3A_42] : memref<10240x64xf32, #tpu.memory_space<vmem_shared>> -> memref<128x64xf32, #tpu.memory_space<vmem_shared>>
    %dma_start3A_44 = arith.constant 0 : i32
    %dma_start3A_45 = tpu.memref_slice %arg12[%add3A_41, %dma_start3A_44] : memref<10240x64xf32, #tpu.memory_space<vmem_shared>> -> memref<128x64xf32, #tpu.memory_space<vmem_shared>>
    tpu.enqueue_dma source(%dma_start3A_45 : memref<128x64xf32, #tpu.memory_space<vmem_shared>>) target(%arg9 : memref<128x64xf32, #tpu.memory_space<vmem>>) target_semaphore(%arg14 : memref<!tpu.dma_semaphore, #tpu.memory_space<semaphore_mem>>)
    %mul3A_46 = arith.constant 640 : i32
    %mul3A_47 = arith.muli %arg1, %mul3A_46 : i32
    %add3A_48 = arith.constant 256 : i32
    %add3A_49 = arith.addi %mul3A_47, %add3A_48 : i32
    %dma_start3A_50 = arith.constant 0 : i32
    %dma_start3A_51 = tpu.memref_slice %arg12[%add3A_49, %dma_start3A_50] : memref<10240x64xf32, #tpu.memory_space<vmem_shared>> -> memref<128x64xf32, #tpu.memory_space<vmem_shared>>
    %dma_start3A_52 = arith.constant 0 : i32
    %dma_start3A_53 = tpu.memref_slice %arg12[%add3A_49, %dma_start3A_52] : memref<10240x64xf32, #tpu.memory_space<vmem_shared>> -> memref<128x64xf32, #tpu.memory_space<vmem_shared>>
    tpu.enqueue_dma source(%dma_start3A_53 : memref<128x64xf32, #tpu.memory_space<vmem_shared>>) target(%arg10 : memref<128x64xf32, #tpu.memory_space<vmem>>) target_semaphore(%arg15 : memref<!tpu.dma_semaphore, #tpu.memory_space<semaphore_mem>>)
    %mul3A_54 = arith.constant 640 : i32
    %mul3A_55 = arith.muli %arg1, %mul3A_54 : i32
    %add3A_56 = arith.constant 384 : i32
    %add3A_57 = arith.addi %mul3A_55, %add3A_56 : i32
    %dma_start3A_58 = arith.constant 0 : i32
    %dma_start3A_59 = tpu.memref_slice %arg12[%add3A_57, %dma_start3A_58] : memref<10240x64xf32, #tpu.memory_space<vmem_shared>> -> memref<128x64xf32, #tpu.memory_space<vmem_shared>>
    %dma_start3A_60 = arith.constant 0 : i32
    %dma_start3A_61 = tpu.memref_slice %arg12[%add3A_57, %dma_start3A_60] : memref<10240x64xf32, #tpu.memory_space<vmem_shared>> -> memref<128x64xf32, #tpu.memory_space<vmem_shared>>
    tpu.enqueue_dma source(%dma_start3A_61 : memref<128x64xf32, #tpu.memory_space<vmem_shared>>) target(%arg11 : memref<128x64xf32, #tpu.memory_space<vmem>>) target_semaphore(%arg16 : memref<!tpu.dma_semaphore, #tpu.memory_space<semaphore_mem>>)
    %mul3A_62 = arith.constant 640 : i32
    %mul3A_63 = arith.muli %arg1, %mul3A_62 : i32
    %add3A_64 = arith.constant 0 : i32
    %add3A_65 = arith.addi %mul3A_63, %add3A_64 : i32
    %dma_wait3A = arith.constant 0 : i32
    %dma_wait3A_66 = tpu.memref_slice %arg12[%add3A_65, %dma_wait3A] : memref<10240x64xf32, #tpu.memory_space<vmem_shared>> -> memref<128x64xf32, #tpu.memory_space<vmem_shared>>
    %dma_wait3A_67 = arith.constant 0 : i32
    %dma_wait3A_68 = tpu.memref_slice %arg12[%add3A_65, %dma_wait3A_67] : memref<10240x64xf32, #tpu.memory_space<vmem_shared>> -> memref<128x64xf32, #tpu.memory_space<vmem_shared>>
    tpu.wait_dma2 semaphore(%arg13 : memref<!tpu.dma_semaphore, #tpu.memory_space<semaphore_mem>>) src(%dma_wait3A_68 : memref<128x64xf32, #tpu.memory_space<vmem_shared>>) dst(%arg8 : memref<128x64xf32, #tpu.memory_space<vmem>>)
    %mul3A_69 = arith.constant 640 : i32
    %mul3A_70 = arith.muli %arg1, %mul3A_69 : i32
    %add3A_71 = arith.constant 0 : i32
    %add3A_72 = arith.addi %mul3A_70, %add3A_71 : i32
    %dma_start3A_73 = arith.constant 0 : i32
    %dma_start3A_74 = tpu.memref_slice %arg5[%arg0, %add3A_72, %dma_start3A_73] : memref<2x10240x64xf32, #tpu.memory_space<hbm>> -> memref<1x128x64xf32, #tpu.memory_space<hbm>>
    %dma_start3A_75 = tpu.memref_squeeze %dma_start3A_74 : memref<1x128x64xf32, #tpu.memory_space<hbm>> -> memref<128x64xf32, #tpu.memory_space<hbm>>
    %dma_start3A_76 = arith.constant 0 : i32
    %dma_start3A_77 = tpu.memref_slice %arg5[%arg0, %add3A_72, %dma_start3A_76] : memref<2x10240x64xf32, #tpu.memory_space<hbm>> -> memref<1x128x64xf32, #tpu.memory_space<hbm>>
    %dma_start3A_78 = tpu.memref_squeeze %dma_start3A_77 : memref<1x128x64xf32, #tpu.memory_space<hbm>> -> memref<128x64xf32, #tpu.memory_space<hbm>>
    tpu.enqueue_dma source(%arg8 : memref<128x64xf32, #tpu.memory_space<vmem>>) target(%dma_start3A_78 : memref<128x64xf32, #tpu.memory_space<hbm>>) target_semaphore(%arg17 : memref<!tpu.dma_semaphore, #tpu.memory_space<semaphore_mem>>)
    %mul3A_79 = arith.constant 640 : i32
    %mul3A_80 = arith.muli %arg1, %mul3A_79 : i32
    %add3A_81 = arith.constant 0 : i32
    %add3A_82 = arith.addi %mul3A_80, %add3A_81 : i32
    %dma_wait3A_83 = arith.constant 0 : i32
    %dma_wait3A_84 = tpu.memref_slice %arg5[%arg0, %add3A_82, %dma_wait3A_83] : memref<2x10240x64xf32, #tpu.memory_space<hbm>> -> memref<1x128x64xf32, #tpu.memory_space<hbm>>
    %dma_wait3A_85 = tpu.memref_squeeze %dma_wait3A_84 : memref<1x128x64xf32, #tpu.memory_space<hbm>> -> memref<128x64xf32, #tpu.memory_space<hbm>>
    %dma_wait3A_86 = arith.constant 0 : i32
    %dma_wait3A_87 = tpu.memref_slice %arg5[%arg0, %add3A_82, %dma_wait3A_86] : memref<2x10240x64xf32, #tpu.memory_space<hbm>> -> memref<1x128x64xf32, #tpu.memory_space<hbm>>
    %dma_wait3A_88 = tpu.memref_squeeze %dma_wait3A_87 : memref<1x128x64xf32, #tpu.memory_space<hbm>> -> memref<128x64xf32, #tpu.memory_space<hbm>>
    tpu.wait_dma2 semaphore(%arg17 : memref<!tpu.dma_semaphore, #tpu.memory_space<semaphore_mem>>) src(%arg8 : memref<128x64xf32, #tpu.memory_space<vmem>>) dst(%dma_wait3A_88 : memref<128x64xf32, #tpu.memory_space<hbm>>)
    %mul3A_89 = arith.constant 640 : i32
    %mul3A_90 = arith.muli %arg1, %mul3A_89 : i32
    %add3A_91 = arith.constant 512 : i32
    %add3A_92 = arith.addi %mul3A_90, %add3A_91 : i32
    %dma_start3A_93 = arith.constant 0 : i32
    %dma_start3A_94 = tpu.memref_slice %arg12[%add3A_92, %dma_start3A_93] : memref<10240x64xf32, #tpu.memory_space<vmem_shared>> -> memref<128x64xf32, #tpu.memory_space<vmem_shared>>
    %dma_start3A_95 = arith.constant 0 : i32
    %dma_start3A_96 = tpu.memref_slice %arg12[%add3A_92, %dma_start3A_95] : memref<10240x64xf32, #tpu.memory_space<vmem_shared>> -> memref<128x64xf32, #tpu.memory_space<vmem_shared>>
    tpu.enqueue_dma source(%dma_start3A_96 : memref<128x64xf32, #tpu.memory_space<vmem_shared>>) target(%arg8 : memref<128x64xf32, #tpu.memory_space<vmem>>) target_semaphore(%arg13 : memref<!tpu.dma_semaphore, #tpu.memory_space<semaphore_mem>>)
    %mul3A_97 = arith.constant 640 : i32
    %mul3A_98 = arith.muli %arg1, %mul3A_97 : i32
    %add3A_99 = arith.constant 128 : i32
    %add3A_100 = arith.addi %mul3A_98, %add3A_99 : i32
    %dma_wait3A_101 = arith.constant 0 : i32
    %dma_wait3A_102 = tpu.memref_slice %arg12[%add3A_100, %dma_wait3A_101] : memref<10240x64xf32, #tpu.memory_space<vmem_shared>> -> memref<128x64xf32, #tpu.memory_space<vmem_shared>>
    %dma_wait3A_103 = arith.constant 0 : i32
    %dma_wait3A_104 = tpu.memref_slice %arg12[%add3A_100, %dma_wait3A_103] : memref<10240x64xf32, #tpu.memory_space<vmem_shared>> -> memref<128x64xf32, #tpu.memory_space<vmem_shared>>
    tpu.wait_dma2 semaphore(%arg14 : memref<!tpu.dma_semaphore, #tpu.memory_space<semaphore_mem>>) src(%dma_wait3A_104 : memref<128x64xf32, #tpu.memory_space<vmem_shared>>) dst(%arg9 : memref<128x64xf32, #tpu.memory_space<vmem>>)
    %mul3A_105 = arith.constant 640 : i32
    %mul3A_106 = arith.muli %arg1, %mul3A_105 : i32
    %add3A_107 = arith.constant 128 : i32
    %add3A_108 = arith.addi %mul3A_106, %add3A_107 : i32
    %dma_start3A_109 = arith.constant 0 : i32
    %dma_start3A_110 = tpu.memref_slice %arg5[%arg0, %add3A_108, %dma_start3A_109] : memref<2x10240x64xf32, #tpu.memory_space<hbm>> -> memref<1x128x64xf32, #tpu.memory_space<hbm>>
    %dma_start3A_111 = tpu.memref_squeeze %dma_start3A_110 : memref<1x128x64xf32, #tpu.memory_space<hbm>> -> memref<128x64xf32, #tpu.memory_space<hbm>>
    %dma_start3A_112 = arith.constant 0 : i32
    %dma_start3A_113 = tpu.memref_slice %arg5[%arg0, %add3A_108, %dma_start3A_112] : memref<2x10240x64xf32, #tpu.memory_space<hbm>> -> memref<1x128x64xf32, #tpu.memory_space<hbm>>
    %dma_start3A_114 = tpu.memref_squeeze %dma_start3A_113 : memref<1x128x64xf32, #tpu.memory_space<hbm>> -> memref<128x64xf32, #tpu.memory_space<hbm>>
    tpu.enqueue_dma source(%arg9 : memref<128x64xf32, #tpu.memory_space<vmem>>) target(%dma_start3A_114 : memref<128x64xf32, #tpu.memory_space<hbm>>) target_semaphore(%arg18 : memref<!tpu.dma_semaphore, #tpu.memory_space<semaphore_mem>>)
    %mul3A_115 = arith.constant 640 : i32
    %mul3A_116 = arith.muli %arg1, %mul3A_115 : i32
    %add3A_117 = arith.constant 256 : i32
    %add3A_118 = arith.addi %mul3A_116, %add3A_117 : i32
    %dma_wait3A_119 = arith.constant 0 : i32
    %dma_wait3A_120 = tpu.memref_slice %arg12[%add3A_118, %dma_wait3A_119] : memref<10240x64xf32, #tpu.memory_space<vmem_shared>> -> memref<128x64xf32, #tpu.memory_space<vmem_shared>>
    %dma_wait3A_121 = arith.constant 0 : i32
    %dma_wait3A_122 = tpu.memref_slice %arg12[%add3A_118, %dma_wait3A_121] : memref<10240x64xf32, #tpu.memory_space<vmem_shared>> -> memref<128x64xf32, #tpu.memory_space<vmem_shared>>
    tpu.wait_dma2 semaphore(%arg15 : memref<!tpu.dma_semaphore, #tpu.memory_space<semaphore_mem>>) src(%dma_wait3A_122 : memref<128x64xf32, #tpu.memory_space<vmem_shared>>) dst(%arg10 : memref<128x64xf32, #tpu.memory_space<vmem>>)
    %mul3A_123 = arith.constant 640 : i32
    %mul3A_124 = arith.muli %arg1, %mul3A_123 : i32
    %add3A_125 = arith.constant 256 : i32
    %add3A_126 = arith.addi %mul3A_124, %add3A_125 : i32
    %dma_start3A_127 = arith.constant 0 : i32
    %dma_start3A_128 = tpu.memref_slice %arg5[%arg0, %add3A_126, %dma_start3A_127] : memref<2x10240x64xf32, #tpu.memory_space<hbm>> -> memref<1x128x64xf32, #tpu.memory_space<hbm>>
    %dma_start3A_129 = tpu.memref_squeeze %dma_start3A_128 : memref<1x128x64xf32, #tpu.memory_space<hbm>> -> memref<128x64xf32, #tpu.memory_space<hbm>>
    %dma_start3A_130 = arith.constant 0 : i32
    %dma_start3A_131 = tpu.memref_slice %arg5[%arg0, %add3A_126, %dma_start3A_130] : memref<2x10240x64xf32, #tpu.memory_space<hbm>> -> memref<1x128x64xf32, #tpu.memory_space<hbm>>
    %dma_start3A_132 = tpu.memref_squeeze %dma_start3A_131 : memref<1x128x64xf32, #tpu.memory_space<hbm>> -> memref<128x64xf32, #tpu.memory_space<hbm>>
    tpu.enqueue_dma source(%arg10 : memref<128x64xf32, #tpu.memory_space<vmem>>) target(%dma_start3A_132 : memref<128x64xf32, #tpu.memory_space<hbm>>) target_semaphore(%arg19 : memref<!tpu.dma_semaphore, #tpu.memory_space<semaphore_mem>>)
    %mul3A_133 = arith.constant 640 : i32
    %mul3A_134 = arith.muli %arg1, %mul3A_133 : i32
    %add3A_135 = arith.constant 384 : i32
    %add3A_136 = arith.addi %mul3A_134, %add3A_135 : i32
    %dma_wait3A_137 = arith.constant 0 : i32
    %dma_wait3A_138 = tpu.memref_slice %arg12[%add3A_136, %dma_wait3A_137] : memref<10240x64xf32, #tpu.memory_space<vmem_shared>> -> memref<128x64xf32, #tpu.memory_space<vmem_shared>>
    %dma_wait3A_139 = arith.constant 0 : i32
    %dma_wait3A_140 = tpu.memref_slice %arg12[%add3A_136, %dma_wait3A_139] : memref<10240x64xf32, #tpu.memory_space<vmem_shared>> -> memref<128x64xf32, #tpu.memory_space<vmem_shared>>
    tpu.wait_dma2 semaphore(%arg16 : memref<!tpu.dma_semaphore, #tpu.memory_space<semaphore_mem>>) src(%dma_wait3A_140 : memref<128x64xf32, #tpu.memory_space<vmem_shared>>) dst(%arg11 : memref<128x64xf32, #tpu.memory_space<vmem>>)
    %mul3A_141 = arith.constant 640 : i32
    %mul3A_142 = arith.muli %arg1, %mul3A_141 : i32
    %add3A_143 = arith.constant 384 : i32
    %add3A_144 = arith.addi %mul3A_142, %add3A_143 : i32
    %dma_start3A_145 = arith.constant 0 : i32
    %dma_start3A_146 = tpu.memref_slice %arg5[%arg0, %add3A_144, %dma_start3A_145] : memref<2x10240x64xf32, #tpu.memory_space<hbm>> -> memref<1x128x64xf32, #tpu.memory_space<hbm>>
    %dma_start3A_147 = tpu.memref_squeeze %dma_start3A_146 : memref<1x128x64xf32, #tpu.memory_space<hbm>> -> memref<128x64xf32, #tpu.memory_space<hbm>>
    %dma_start3A_148 = arith.constant 0 : i32
    %dma_start3A_149 = tpu.memref_slice %arg5[%arg0, %add3A_144, %dma_start3A_148] : memref<2x10240x64xf32, #tpu.memory_space<hbm>> -> memref<1x128x64xf32, #tpu.memory_space<hbm>>
    %dma_start3A_150 = tpu.memref_squeeze %dma_start3A_149 : memref<1x128x64xf32, #tpu.memory_space<hbm>> -> memref<128x64xf32, #tpu.memory_space<hbm>>
    tpu.enqueue_dma source(%arg11 : memref<128x64xf32, #tpu.memory_space<vmem>>) target(%dma_start3A_150 : memref<128x64xf32, #tpu.memory_space<hbm>>) target_semaphore(%arg20 : memref<!tpu.dma_semaphore, #tpu.memory_space<semaphore_mem>>)
    %mul3A_151 = arith.constant 640 : i32
    %mul3A_152 = arith.muli %arg1, %mul3A_151 : i32
    %add3A_153 = arith.constant 512 : i32
    %add3A_154 = arith.addi %mul3A_152, %add3A_153 : i32
    %dma_wait3A_155 = arith.constant 0 : i32
    %dma_wait3A_156 = tpu.memref_slice %arg12[%add3A_154, %dma_wait3A_155] : memref<10240x64xf32, #tpu.memory_space<vmem_shared>> -> memref<128x64xf32, #tpu.memory_space<vmem_shared>>
    %dma_wait3A_157 = arith.constant 0 : i32
    %dma_wait3A_158 = tpu.memref_slice %arg12[%add3A_154, %dma_wait3A_157] : memref<10240x64xf32, #tpu.memory_space<vmem_shared>> -> memref<128x64xf32, #tpu.memory_space<vmem_shared>>
    tpu.wait_dma2 semaphore(%arg13 : memref<!tpu.dma_semaphore, #tpu.memory_space<semaphore_mem>>) src(%dma_wait3A_158 : memref<128x64xf32, #tpu.memory_space<vmem_shared>>) dst(%arg8 : memref<128x64xf32, #tpu.memory_space<vmem>>)
    %mul3A_159 = arith.constant 640 : i32
    %mul3A_160 = arith.muli %arg1, %mul3A_159 : i32
    %add3A_161 = arith.constant 512 : i32
    %add3A_162 = arith.addi %mul3A_160, %add3A_161 : i32
    %dma_start3A_163 = arith.constant 0 : i32
    %dma_start3A_164 = tpu.memref_slice %arg5[%arg0, %add3A_162, %dma_start3A_163] : memref<2x10240x64xf32, #tpu.memory_space<hbm>> -> memref<1x128x64xf32, #tpu.memory_space<hbm>>
    %dma_start3A_165 = tpu.memref_squeeze %dma_start3A_164 : memref<1x128x64xf32, #tpu.memory_space<hbm>> -> memref<128x64xf32, #tpu.memory_space<hbm>>
    %dma_start3A_166 = arith.constant 0 : i32
    %dma_start3A_167 = tpu.memref_slice %arg5[%arg0, %add3A_162, %dma_start3A_166] : memref<2x10240x64xf32, #tpu.memory_space<hbm>> -> memref<1x128x64xf32, #tpu.memory_space<hbm>>
    %dma_start3A_168 = tpu.memref_squeeze %dma_start3A_167 : memref<1x128x64xf32, #tpu.memory_space<hbm>> -> memref<128x64xf32, #tpu.memory_space<hbm>>
    tpu.enqueue_dma source(%arg8 : memref<128x64xf32, #tpu.memory_space<vmem>>) target(%dma_start3A_168 : memref<128x64xf32, #tpu.memory_space<hbm>>) target_semaphore(%arg17 : memref<!tpu.dma_semaphore, #tpu.memory_space<semaphore_mem>>)
    %mul3A_169 = arith.constant 640 : i32
    %mul3A_170 = arith.muli %arg1, %mul3A_169 : i32
    %add3A_171 = arith.constant 128 : i32
    %add3A_172 = arith.addi %mul3A_170, %add3A_171 : i32
    %dma_wait3A_173 = arith.constant 0 : i32
    %dma_wait3A_174 = tpu.memref_slice %arg5[%arg0, %add3A_172, %dma_wait3A_173] : memref<2x10240x64xf32, #tpu.memory_space<hbm>> -> memref<1x128x64xf32, #tpu.memory_space<hbm>>
    %dma_wait3A_175 = tpu.memref_squeeze %dma_wait3A_174 : memref<1x128x64xf32, #tpu.memory_space<hbm>> -> memref<128x64xf32, #tpu.memory_space<hbm>>
    %dma_wait3A_176 = arith.constant 0 : i32
    %dma_wait3A_177 = tpu.memref_slice %arg5[%arg0, %add3A_172, %dma_wait3A_176] : memref<2x10240x64xf32, #tpu.memory_space<hbm>> -> memref<1x128x64xf32, #tpu.memory_space<hbm>>
    %dma_wait3A_178 = tpu.memref_squeeze %dma_wait3A_177 : memref<1x128x64xf32, #tpu.memory_space<hbm>> -> memref<128x64xf32, #tpu.memory_space<hbm>>
    tpu.wait_dma2 semaphore(%arg18 : memref<!tpu.dma_semaphore, #tpu.memory_space<semaphore_mem>>) src(%arg9 : memref<128x64xf32, #tpu.memory_space<vmem>>) dst(%dma_wait3A_178 : memref<128x64xf32, #tpu.memory_space<hbm>>)
    %mul3A_179 = arith.constant 640 : i32
    %mul3A_180 = arith.muli %arg1, %mul3A_179 : i32
    %add3A_181 = arith.constant 256 : i32
    %add3A_182 = arith.addi %mul3A_180, %add3A_181 : i32
    %dma_wait3A_183 = arith.constant 0 : i32
    %dma_wait3A_184 = tpu.memref_slice %arg5[%arg0, %add3A_182, %dma_wait3A_183] : memref<2x10240x64xf32, #tpu.memory_space<hbm>> -> memref<1x128x64xf32, #tpu.memory_space<hbm>>
    %dma_wait3A_185 = tpu.memref_squeeze %dma_wait3A_184 : memref<1x128x64xf32, #tpu.memory_space<hbm>> -> memref<128x64xf32, #tpu.memory_space<hbm>>
    %dma_wait3A_186 = arith.constant 0 : i32
    %dma_wait3A_187 = tpu.memref_slice %arg5[%arg0, %add3A_182, %dma_wait3A_186] : memref<2x10240x64xf32, #tpu.memory_space<hbm>> -> memref<1x128x64xf32, #tpu.memory_space<hbm>>
    %dma_wait3A_188 = tpu.memref_squeeze %dma_wait3A_187 : memref<1x128x64xf32, #tpu.memory_space<hbm>> -> memref<128x64xf32, #tpu.memory_space<hbm>>
    tpu.wait_dma2 semaphore(%arg19 : memref<!tpu.dma_semaphore, #tpu.memory_space<semaphore_mem>>) src(%arg10 : memref<128x64xf32, #tpu.memory_space<vmem>>) dst(%dma_wait3A_188 : memref<128x64xf32, #tpu.memory_space<hbm>>)
    %mul3A_189 = arith.constant 640 : i32
    %mul3A_190 = arith.muli %arg1, %mul3A_189 : i32
    %add3A_191 = arith.constant 384 : i32
    %add3A_192 = arith.addi %mul3A_190, %add3A_191 : i32
    %dma_wait3A_193 = arith.constant 0 : i32
    %dma_wait3A_194 = tpu.memref_slice %arg5[%arg0, %add3A_192, %dma_wait3A_193] : memref<2x10240x64xf32, #tpu.memory_space<hbm>> -> memref<1x128x64xf32, #tpu.memory_space<hbm>>
    %dma_wait3A_195 = tpu.memref_squeeze %dma_wait3A_194 : memref<1x128x64xf32, #tpu.memory_space<hbm>> -> memref<128x64xf32, #tpu.memory_space<hbm>>
    %dma_wait3A_196 = arith.constant 0 : i32
    %dma_wait3A_197 = tpu.memref_slice %arg5[%arg0, %add3A_192, %dma_wait3A_196] : memref<2x10240x64xf32, #tpu.memory_space<hbm>> -> memref<1x128x64xf32, #tpu.memory_space<hbm>>
    %dma_wait3A_198 = tpu.memref_squeeze %dma_wait3A_197 : memref<1x128x64xf32, #tpu.memory_space<hbm>> -> memref<128x64xf32, #tpu.memory_space<hbm>>
    tpu.wait_dma2 semaphore(%arg20 : memref<!tpu.dma_semaphore, #tpu.memory_space<semaphore_mem>>) src(%arg11 : memref<128x64xf32, #tpu.memory_space<vmem>>) dst(%dma_wait3A_198 : memref<128x64xf32, #tpu.memory_space<hbm>>)
    %mul3A_199 = arith.constant 640 : i32
    %mul3A_200 = arith.muli %arg1, %mul3A_199 : i32
    %add3A_201 = arith.constant 512 : i32
    %add3A_202 = arith.addi %mul3A_200, %add3A_201 : i32
    %dma_wait3A_203 = arith.constant 0 : i32
    %dma_wait3A_204 = tpu.memref_slice %arg5[%arg0, %add3A_202, %dma_wait3A_203] : memref<2x10240x64xf32, #tpu.memory_space<hbm>> -> memref<1x128x64xf32, #tpu.memory_space<hbm>>
    %dma_wait3A_205 = tpu.memref_squeeze %dma_wait3A_204 : memref<1x128x64xf32, #tpu.memory_space<hbm>> -> memref<128x64xf32, #tpu.memory_space<hbm>>
    %dma_wait3A_206 = arith.constant 0 : i32
    %dma_wait3A_207 = tpu.memref_slice %arg5[%arg0, %add3A_202, %dma_wait3A_206] : memref<2x10240x64xf32, #tpu.memory_space<hbm>> -> memref<1x128x64xf32, #tpu.memory_space<hbm>>
    %dma_wait3A_208 = tpu.memref_squeeze %dma_wait3A_207 : memref<1x128x64xf32, #tpu.memory_space<hbm>> -> memref<128x64xf32, #tpu.memory_space<hbm>>
    tpu.wait_dma2 semaphore(%arg17 : memref<!tpu.dma_semaphore, #tpu.memory_space<semaphore_mem>>) src(%arg8 : memref<128x64xf32, #tpu.memory_space<vmem>>) dst(%dma_wait3A_208 : memref<128x64xf32, #tpu.memory_space<hbm>>)
    return
  }
}

module attributes {stable_mosaic.version = 14 : i64} {
  func.func @_mm_body(%arg0: i32, %arg1: memref<1000x128xf32, #tpu.memory_space<vmem>>, %arg2: memref<128x64xf32, #tpu.memory_space<vmem>>, %arg3: memref<1000x64xf32, #tpu.memory_space<vmem>>) attributes {dimension_semantics = [#tpu.dimension_semantics<arbitrary>], iteration_bounds = array<i64: 10>, scalar_prefetch = 0 : i64, scratch_operands = 0 : i64, tpu.core_type = #tpu.core_type<tc>, window_params = [{transform_indices = @transform_0, window_bounds = array<i64: 1000, 128>}, {pipeline_mode = #tpu.pipeline_mode<synchronous>, transform_indices = @transform_1, window_bounds = array<i64: 128, 64>}, {transform_indices = @transform_2, window_bounds = array<i64: 1000, 64>}]} {
    %get3A = arith.constant 0 : index
    %get3A_0 = arith.constant 0 : index
    %get3A_1 = vector.load %arg1[%get3A, %get3A_0] : memref<1000x128xf32, #tpu.memory_space<vmem>>, vector<1000x128xf32>
    %get3A_2 = arith.constant 0 : index
    %get3A_3 = arith.constant 0 : index
    %get3A_4 = vector.load %arg2[%get3A_2, %get3A_3] : memref<128x64xf32, #tpu.memory_space<vmem>>, vector<128x64xf32>
    %dot_general3A = arith.constant dense<0.000000e+00> : vector<1000x64xf32>
    %dot_general3A_5 = tpu.matmul %get3A_1, %get3A_4, %dot_general3A {dimension_numbers = #tpu.dot_dimension_numbers<[1], [0], [0], [1], [0, 0, 1, 1], [], []>, transpose_lhs_hint = false} : vector<1000x128xf32>, vector<128x64xf32>, vector<1000x64xf32> -> vector<1000x64xf32>
    %swap3A = arith.constant 0 : index
    %swap3A_6 = arith.constant 0 : index
    %swap3A_7 = vector.load %arg3[%swap3A, %swap3A_6] : memref<1000x64xf32, #tpu.memory_space<vmem>>, vector<1000x64xf32>
    tpu.vector_store %arg3[%swap3A, %swap3A_6], %dot_general3A_5 {strides = array<i32>} : memref<1000x64xf32, #tpu.memory_space<vmem>>, vector<1000x64xf32>,
    return
  }
  func.func @transform_0(%arg0: i32) -> (i32, i32) {
    %c0_i32 = arith.constant 0 : i32
    %c0_i32_0 = arith.constant 0 : i32
    return %arg0, %c0_i32 : i32, i32
  }
  func.func @transform_1(%arg0: i32) -> (i32, i32) {
    %c0_i32 = arith.constant 0 : i32
    %c0_i32_0 = arith.constant 0 : i32
    %c0_i32_1 = arith.constant 0 : i32
    return %c0_i32, %c0_i32_0 : i32, i32
  }
  func.func @transform_2(%arg0: i32) -> (i32, i32) {
    %c0_i32 = arith.constant 0 : i32
    %c0_i32_0 = arith.constant 0 : i32
    return %arg0, %c0_i32 : i32, i32
  }
}

module attributes {stable_mosaic.version = 14 : i64} {
  func.func @_scale_body(%arg0: i32, %arg1: memref<1000x64xf32, #tpu.memory_space<vmem>>, %arg2: memref<1000x32xf32, #tpu.memory_space<vmem>>, %arg3: memref<1000x64xf32, #tpu.memory_space<vmem>>) attributes {dimension_semantics = [#tpu.dimension_semantics<arbitrary>], iteration_bounds = array<i64: 10>, scalar_prefetch = 0 : i64, scratch_operands = 0 : i64, tpu.core_type = #tpu.core_type<tc>, window_params = [{transform_indices = @transform_0, window_bounds = array<i64: 1000, 64>}, {transform_indices = @transform_1, window_bounds = array<i64: 1000, 32>}, {transform_indices = @transform_2, window_bounds = array<i64: 1000, 64>}]} {
    %get3A = arith.constant 0 : index
    %get3A_0 = arith.constant 0 : index
    %get3A_1 = vector.load %arg2[%get3A, %get3A_0] : memref<1000x32xf32, #tpu.memory_space<vmem>>, vector<1000x32xf32>
    %reduce_sum3A = arith.constant dense<0.000000e+00> : vector<1000xf32>
    %reduce_sum3A_2 = vector.multi_reduction <add>, %get3A_1, %reduce_sum3A [1] : vector<1000x32xf32> to vector<1000xf32>
    %broadcast_in_dim3A = vector.shape_cast %reduce_sum3A_2 : vector<1000xf32> to vector<1000x1xf32>
    %add3A = arith.constant 1.000000e+00 : f32
    %add3A_3 = vector.broadcast %add3A : f32 to vector<1000x1xf32>
    %add3A_4 = arith.addf %broadcast_in_dim3A, %add3A_3 : vector<1000x1xf32>
    %rsqrt3A = math.rsqrt %add3A_4 : vector<1000x1xf32>
    %get3A_5 = arith.constant 0 : index
    %get3A_6 = arith.constant 0 : index
    %get3A_7 = vector.load %arg1[%get3A_5, %get3A_6] : memref<1000x64xf32, #tpu.memory_space<vmem>>, vector<1000x64xf32>
    %mul3A = vector.broadcast %rsqrt3A : vector<1000x1xf32> to vector<1000x64xf32>
    %mul3A_8 = arith.mulf %get3A_7, %mul3A : vector<1000x64xf32>
    %swap3A = arith.constant 0 : index
    %swap3A_9 = arith.constant 0 : index
    %swap3A_10 = vector.load %arg3[%swap3A, %swap3A_9] : memref<1000x64xf32, #tpu.memory_space<vmem>>, vector<1000x64xf32>
    tpu.vector_store %arg3[%swap3A, %swap3A_9], %mul3A_8 {strides = array<i32>} : memref<1000x64xf32, #tpu.memory_space<vmem>>, vector<1000x64xf32>,
    return
  }
  func.func @transform_0(%arg0: i32) -> (i32, i32) {
    %c0_i32 = arith.constant 0 : i32
    %c0_i32_0 = arith.constant 0 : i32
    return %arg0, %c0_i32 : i32, i32
  }
  func.func @transform_1(%arg0: i32) -> (i32, i32) {
    %c0_i32 = arith.constant 0 : i32
    %c0_i32_0 = arith.constant 0 : i32
    return %arg0, %c0_i32 : i32, i32
  }
  func.func @transform_2(%arg0: i32) -> (i32, i32) {
    %c0_i32 = arith.constant 0 : i32
    %c0_i32_0 = arith.constant 0 : i32
    return %arg0, %c0_i32 : i32, i32
  }
}

module attributes {stable_mosaic.version = 14 : i64} {
  func.func @_mlp_body(%arg0: i32, %arg1: memref<2x1000x64xf32, #tpu.memory_space<vmem>>, %arg2: memref<1000x64xf32, #tpu.memory_space<vmem>>, %arg3: memref<1000x32xf32, #tpu.memory_space<vmem>>, %arg4: memref<1x64xf32, #tpu.memory_space<vmem>>, %arg5: memref<512x512xf32, #tpu.memory_space<vmem>>, %arg6: memref<1x512xf32, #tpu.memory_space<vmem>>, %arg7: memref<512x128xf32, #tpu.memory_space<vmem>>, %arg8: memref<1x128xf32, #tpu.memory_space<vmem>>, %arg9: memref<1000x128xf32, #tpu.memory_space<vmem>>) attributes {dimension_semantics = [#tpu.dimension_semantics<arbitrary>], iteration_bounds = array<i64: 10>, scalar_prefetch = 0 : i64, scratch_operands = 0 : i64, tpu.core_type = #tpu.core_type<tc>, window_params = [{transform_indices = @transform_0, window_bounds = array<i64: 2, 1000, 64>}, {transform_indices = @transform_1, window_bounds = array<i64: 1000, 64>}, {transform_indices = @transform_2, window_bounds = array<i64: 1000, 32>}, {pipeline_mode = #tpu.pipeline_mode<synchronous>, transform_indices = @transform_3, window_bounds = array<i64: 1, 64>}, {pipeline_mode = #tpu.pipeline_mode<synchronous>, transform_indices = @transform_4, window_bounds = array<i64: 512, 512>}, {pipeline_mode = #tpu.pipeline_mode<synchronous>, transform_indices = @transform_5, window_bounds = array<i64: 1, 512>}, {pipeline_mode = #tpu.pipeline_mode<synchronous>, transform_indices = @transform_6, window_bounds = array<i64: 512, 128>}, {pipeline_mode = #tpu.pipeline_mode<synchronous>, transform_indices = @transform_7, window_bounds = array<i64: 1, 128>}, {transform_indices = @transform_8, window_bounds = array<i64: 1000, 128>}]} {
    %get3A = arith.constant 0 : index
    %get3A_0 = arith.constant 0 : index
    %get3A_1 = vector.load %arg3[%get3A, %get3A_0] : memref<1000x32xf32, #tpu.memory_space<vmem>>, vector<1000x32xf32>
    %reduce_sum3A = arith.constant dense<0.000000e+00> : vector<1000xf32>
    %reduce_sum3A_2 = vector.multi_reduction <add>, %get3A_1, %reduce_sum3A [1] : vector<1000x32xf32> to vector<1000xf32>
    %broadcast_in_dim3A = vector.shape_cast %reduce_sum3A_2 : vector<1000xf32> to vector<1000x1xf32>
    %add3A = arith.constant 1.000000e+00 : f32
    %add3A_3 = vector.broadcast %add3A : f32 to vector<1000x1xf32>
    %add3A_4 = arith.addf %broadcast_in_dim3A, %add3A_3 : vector<1000x1xf32>
    %rsqrt3A = math.rsqrt %add3A_4 : vector<1000x1xf32>
    %get3A_5 = arith.constant 0 : index
    %get3A_6 = arith.constant 0 : index
    %get3A_7 = arith.constant 0 : index
    %get3A_8 = vector.load %arg1[%get3A_5, %get3A_6, %get3A_7] : memref<2x1000x64xf32, #tpu.memory_space<vmem>>, vector<1x1000x64xf32>
    %get3A_9 = vector.shape_cast %get3A_8 : vector<1x1000x64xf32> to vector<1000x64xf32>
    %get3A_10 = arith.constant 1 : index
    %get3A_11 = arith.constant 0 : index
    %get3A_12 = arith.constant 0 : index
    %get3A_13 = vector.load %arg1[%get3A_10, %get3A_11, %get3A_12] : memref<2x1000x64xf32, #tpu.memory_space<vmem>>, vector<1x1000x64xf32>
    %get3A_14 = vector.shape_cast %get3A_13 : vector<1x1000x64xf32> to vector<1000x64xf32>
    %add3A_15 = arith.addf %get3A_9, %get3A_14 : vector<1000x64xf32>
    %get3A_16 = arith.constant 0 : index
    %get3A_17 = arith.constant 0 : index
    %get3A_18 = vector.load %arg2[%get3A_16, %get3A_17] : memref<1000x64xf32, #tpu.memory_space<vmem>>, vector<1000x64xf32>
    %add3A_19 = arith.addf %add3A_15, %get3A_18 : vector<1000x64xf32>
    %mul3A = vector.broadcast %rsqrt3A : vector<1000x1xf32> to vector<1000x64xf32>
    %mul3A_20 = arith.mulf %mul3A, %add3A_19 : vector<1000x64xf32>
    %get3A_21 = arith.constant 0 : index
    %get3A_22 = arith.constant 0 : index
    %get3A_23 = vector.load %arg4[%get3A_21, %get3A_22] : memref<1x64xf32, #tpu.memory_space<vmem>>, vector<1x64xf32>
    %add3A_24 = vector.broadcast %get3A_23 : vector<1x64xf32> to vector<1000x64xf32>
    %add3A_25 = arith.addf %mul3A_20, %add3A_24 : vector<1000x64xf32>
    %get3A_26 = arith.constant 0 : index
    %get3A_27 = arith.constant 0 : index
    %get3A_28 = vector.load %arg5[%get3A_26, %get3A_27] : memref<512x512xf32, #tpu.memory_space<vmem>>, vector<64x512xf32>
    %get3A_29 = arith.constant 64 : index
    %get3A_30 = arith.constant 0 : index
    %get3A_31 = vector.load %arg5[%get3A_29, %get3A_30] : memref<512x512xf32, #tpu.memory_space<vmem>>, vector<64x512xf32>
    %add3A_32 = arith.addf %get3A_28, %get3A_31 : vector<64x512xf32>
    %get3A_33 = arith.constant 128 : index
    %get3A_34 = arith.constant 0 : index
    %get3A_35 = vector.load %arg5[%get3A_33, %get3A_34] : memref<512x512xf32, #tpu.memory_space<vmem>>, vector<64x512xf32>
    %add3A_36 = arith.addf %add3A_32, %get3A_35 : vector<64x512xf32>
    %get3A_37 = arith.constant 192 : index
    %get3A_38 = arith.constant 0 : index
    %get3A_39 = vector.load %arg5[%get3A_37, %get3A_38] : memref<512x512xf32, #tpu.memory_space<vmem>>, vector<64x512xf32>
    %add3A_40 = arith.addf %add3A_36, %get3A_39 : vector<64x512xf32>
    %get3A_41 = arith.constant 256 : index
    %get3A_42 = arith.constant 0 : index
    %get3A_43 = vector.load %arg5[%get3A_41, %get3A_42] : memref<512x512xf32, #tpu.memory_space<vmem>>, vector<64x512xf32>
    %add3A_44 = arith.addf %add3A_40, %get3A_43 : vector<64x512xf32>
    %get3A_45 = arith.constant 320 : index
    %get3A_46 = arith.constant 0 : index
    %get3A_47 = vector.load %arg5[%get3A_45, %get3A_46] : memref<512x512xf32, #tpu.memory_space<vmem>>, vector<64x512xf32>
    %add3A_48 = arith.addf %add3A_44, %get3A_47 : vector<64x512xf32>
    %get3A_49 = arith.constant 384 : index
    %get3A_50 = arith.constant 0 : index
    %get3A_51 = vector.load %arg5[%get3A_49, %get3A_50] : memref<512x512xf32, #tpu.memory_space<vmem>>, vector<64x512xf32>
    %add3A_52 = arith.addf %add3A_48, %get3A_51 : vector<64x512xf32>
    %get3A_53 = arith.constant 448 : index
    %get3A_54 = arith.constant 0 : index
    %get3A_55 = vector.load %arg5[%get3A_53, %get3A_54] : memref<512x512xf32, #tpu.memory_space<vmem>>, vector<64x512xf32>
    %add3A_56 = arith.addf %add3A_52, %get3A_55 : vector<64x512xf32>
    %dot_general3A = arith.constant dense<0.000000e+00> : vector<1000x512xf32>
    %dot_general3A_57 = tpu.matmul %add3A_25, %add3A_56, %dot_general3A {dimension_numbers = #tpu.dot_dimension_numbers<[1], [0], [0], [1], [0, 0, 1, 1], [], []>, transpose_lhs_hint = false} : vector<1000x64xf32>, vector<64x512xf32>, vector<1000x512xf32> -> vector<1000x512xf32>
    %get3A_58 = arith.constant 0 : index
    %get3A_59 = arith.constant 0 : index
    %get3A_60 = vector.load %arg6[%get3A_58, %get3A_59] : memref<1x512xf32, #tpu.memory_space<vmem>>, vector<1x512xf32>
    %add3A_61 = vector.broadcast %get3A_60 : vector<1x512xf32> to vector<1000x512xf32>
    %add3A_62 = arith.addf %dot_general3A_57, %add3A_61 : vector<1000x512xf32>
    %max3A = arith.constant 0.000000e+00 : f32
    %max3A_63 = vector.broadcast %max3A : f32 to vector<1000x512xf32>
    %max3A_64 = arith.maximumf %add3A_62, %max3A_63 : vector<1000x512xf32>
    %get3A_65 = arith.constant 0 : index
    %get3A_66 = arith.constant 0 : index
    %get3A_67 = vector.load %arg7[%get3A_65, %get3A_66] : memref<512x128xf32, #tpu.memory_space<vmem>>, vector<512x128xf32>
    %dot_general3A_68 = arith.constant dense<0.000000e+00> : vector<1000x128xf32>
    %dot_general3A_69 = tpu.matmul %max3A_64, %get3A_67, %dot_general3A_68 {dimension_numbers = #tpu.dot_dimension_numbers<[1], [0], [0], [1], [0, 0, 1, 1], [], []>, transpose_lhs_hint = false} : vector<1000x512xf32>, vector<512x128xf32>, vector<1000x128xf32> -> vector<1000x128xf32>
    %get3A_70 = arith.constant 0 : index
    %get3A_71 = arith.constant 0 : index
    %get3A_72 = vector.load %arg8[%get3A_70, %get3A_71] : memref<1x128xf32, #tpu.memory_space<vmem>>, vector<1x128xf32>
    %add3A_73 = vector.broadcast %get3A_72 : vector<1x128xf32> to vector<1000x128xf32>
    %add3A_74 = arith.addf %dot_general3A_69, %add3A_73 : vector<1000x128xf32>
    %swap3A = arith.constant 0 : index
    %swap3A_75 = arith.constant 0 : index
    %swap3A_76 = vector.load %arg9[%swap3A, %swap3A_75] : memref<1000x128xf32, #tpu.memory_space<vmem>>, vector<1000x128xf32>
    tpu.vector_store %arg9[%swap3A, %swap3A_75], %add3A_74 {strides = array<i32>} : memref<1000x128xf32, #tpu.memory_space<vmem>>, vector<1000x128xf32>,
    return
  }
  func.func @transform_0(%arg0: i32) -> (i32, i32, i32) {
    %c0_i32 = arith.constant 0 : i32
    %c0_i32_0 = arith.constant 0 : i32
    %c0_i32_1 = arith.constant 0 : i32
    return %c0_i32, %arg0, %c0_i32_0 : i32, i32, i32
  }
  func.func @transform_1(%arg0: i32) -> (i32, i32) {
    %c0_i32 = arith.constant 0 : i32
    %c0_i32_0 = arith.constant 0 : i32
    return %arg0, %c0_i32 : i32, i32
  }
  func.func @transform_2(%arg0: i32) -> (i32, i32) {
    %c0_i32 = arith.constant 0 : i32
    %c0_i32_0 = arith.constant 0 : i32
    return %arg0, %c0_i32 : i32, i32
  }
  func.func @transform_3(%arg0: i32) -> (i32, i32) {
    %c0_i32 = arith.constant 0 : i32
    %c0_i32_0 = arith.constant 0 : i32
    %c0_i32_1 = arith.constant 0 : i32
    return %c0_i32, %c0_i32_0 : i32, i32
  }
  func.func @transform_4(%arg0: i32) -> (i32, i32) {
    %c0_i32 = arith.constant 0 : i32
    %c0_i32_0 = arith.constant 0 : i32
    %c0_i32_1 = arith.constant 0 : i32
    return %c0_i32, %c0_i32_0 : i32, i32
  }
  func.func @transform_5(%arg0: i32) -> (i32, i32) {
    %c0_i32 = arith.constant 0 : i32
    %c0_i32_0 = arith.constant 0 : i32
    %c0_i32_1 = arith.constant 0 : i32
    return %c0_i32, %c0_i32_0 : i32, i32
  }
  func.func @transform_6(%arg0: i32) -> (i32, i32) {
    %c0_i32 = arith.constant 0 : i32
    %c0_i32_0 = arith.constant 0 : i32
    %c0_i32_1 = arith.constant 0 : i32
    return %c0_i32, %c0_i32_0 : i32, i32
  }
  func.func @transform_7(%arg0: i32) -> (i32, i32) {
    %c0_i32 = arith.constant 0 : i32
    %c0_i32_0 = arith.constant 0 : i32
    %c0_i32_1 = arith.constant 0 : i32
    return %c0_i32, %c0_i32_0 : i32, i32
  }
  func.func @transform_8(%arg0: i32) -> (i32, i32) {
    %c0_i32 = arith.constant 0 : i32
    %c0_i32_0 = arith.constant 0 : i32
    return %arg0, %c0_i32 : i32, i32
  }
}

</mosaic_0001>

<sc_bundles>
// kernel: kernel.10.cloned.1.call-start
scs
__scs_entry_jumppad:
0x0: {  	(pc) =	sbr.rel $0x88, $3  }
0x1: {  	(tag) =	ssettag $0x0;
	lr =	simm.s32 $0x1  }
0x2: {  	[smem:$0x3F99] =	sst lr;
	_ =	strace $0xD0000000  }
0x3: {  	_ = 	snop  }
0x4: {  	_ = 	snop  }
0x5: {  	_ = 	snop  }
0x6: {  	_ = 	snop  }
0x7: {  	_ = 	snop  }
__scs_overlays_trampoline_lowered:
0x8: {  	[smem:$0x3FA8] =	sst s0  }
0x9: {  	[smem:$0x3FA9] =	sst s1  }
0xa: {  	[smem:$0x3FAA] =	sst s2  }
0xb: {  	[smem:$0x3FAB] =	sst s3  }
0xc: {  	[smem:$0x3FAC] =	sst s4  }
0xd: {  	[smem:$0x3FAD] =	sst s5  }
0xe: {  	[smem:$0x3FAE] =	sst s6  }
0xf: {  	[smem:$0x3FAF] =	sst s7  }
0x10: {  	[smem:$0x3FB0] =	sst s8  }
0x11: {  	[smem:$0x3FB1] =	sst s9;
	s0 =	simm.s32 @!p0 $0x0  }
0x12: {  	s1 =	sld [smem:$0x3F97];
	s0 =	simm.s32 @p0 $0x1  }
0x13: {  	[smem:$0x3FB2] =	sst s0;
	s0 =	simm.s32 @!p1 $0x0  }
0x14: {  	s2 =	sld [smem:$0x3F96];
	s0 =	simm.s32 @p1 $0x1  }
0x15: {  	[smem:$0x3FB3] =	sst s0;
	s0 =	simm.s32 @!p2 $0x0  }
0x16: {  	s3 =	sld [smem:$0x3FDB];
	s0 =	simm.s32 @p2 $0x1  }
0x17: {  	s4 =	simm.s32 $0x1BF5;
	[smem:$0x3FB5] =	sst s0  }
0x18: {  	s0 =	sld [smem:$0x3F98];
	_ =	swait.ge [sflag:s4], $0x0  }
0x19: {  	s7 =	sld [smem:$0x3F99]  }
0x1a: {  	s8 =	sadd.s32 $0xFFFFE003, lr  }
0x1b: {  	s9 =	sadd.s32 $0xFFFFFEF7, lr;
	s5 =	simm.s32 $0xFFFFFFFF;
	p2 =	slt.u32 s8, $0xFFFFF086  }
0x1c: {  	p1 =	slt.u32 s9, $0xF7A;
	s5 =	simm.s32 @!p2 $0x0  }
0x1d: {  	s5 =	simm.s32 @p1 $0x1;
	p0 =	seq.s32 s7, s2  }
0x1e: {  	s7 =	smul.u32 @!p0 $0xF7A, s2;
	p2 =	seq.s32 @!p0 s5, $0x0  }
0x1f: {  	s9 =	smul.u32 $0xF7A, s1;
	s8 =	simm.s32 @!p0 $0x1BF5;
	p2 =	por !p2, p0  }
0x20: {  	[sflag:s8] =	ssyncset.s32 @!p0 $0xFFFFF086;
	s6 =	sadd.s32 @!p0 s3, s7;
	s7 =	simm.s32 @!p0 $0x108  }
0x21: {  	s3 =	sadd.s32 s3, s9;
	s6 =	sadd.s32 @!p0 $0x88, s6;
	s7 =	simm.s32 @p2 $0x1082  }
0x22: {  	[simem:s7], [sflag:s8] =	dma.local @!p0 [hbm:s6], $0xF7A  }
0x23: {  	s9 =	sor.u32 $0xD0000000, s2;
	s6 =	simm.s32 $0x108;
	_ =	swait.ge @!p0 [sflag:s8], $0x0  }
0x24: {  	s3 =	sadd.s32 $0x88, s3;
	s6 =	simm.s32 @!p1 $0x1082;
	[sflag:s4] =	ssyncset.s32 $0xFFFFF086  }
0x25: {  	[simem:s6], [sflag:s4] =	dma.local [hbm:s3], $0xF7A  }
0x26: {  	[smem:$0x3F99] =	sst s1;
	(tag) =	ssettag s2;
	_ =	strace s9  }
0x27: {  	s1 =	sld [smem:$0x3FA9]  }
0x28: {  	s2 =	sld [smem:$0x3FAA]  }
0x29: {  	s4 =	sld [smem:$0x3FAC]  }
0x2a: {  	p0 =	seq.s32 s5, $0x0;
	s5 =	sld [smem:$0x3FAD]  }
0x2b: {  	s6 =	sld [smem:$0x3FAE]  }
0x2c: {  	s7 =	sld [smem:$0x3FAF]  }
0x2d: {  	s3 =	simm.s32 $0x108;
	s8 =	sld [smem:$0x3FB0]  }
0x2e: {  	s3 =	simm.s32 @!p0 $0x1082;
	s9 =	sld [smem:$0x3FB1]  }
0x2f: {  	lr =	sadd.s32 s0, s3;
	s0 =	sld [smem:$0x3FA8]  }
0x30: {  	s3 =	sld [smem:$0x3FAB]  }
0x31: {  	[smem:$0x3FB4] =	sst s10  }
0x32: {  	s10 =	sld [smem:$0x3FB2];
	_ =	sdelay $0x3  }
0x33: {  	p0 =	seq.s32 s10, $0x1;
	s10 =	sld [smem:$0x3FB4];
	_ =	sdelay $0x3  }
0x34: {  	[smem:$0x3FB4] =	sst s10  }
0x35: {  	s10 =	sld [smem:$0x3FB3];
	_ =	sdelay $0x3  }
0x36: {  	p1 =	seq.s32 s10, $0x1;
	s10 =	sld [smem:$0x3FB4];
	_ =	sdelay $0x3  }
0x37: {  	[smem:$0x3FB4] =	sst s10  }
0x38: {  	s10 =	sld [smem:$0x3FB5]  }
0x39: {  	_ = 	snop;
	(pc) =	sbr.ind lr, $3  }
0x3a: {  	_ = 	snop  }
0x3b: {  	_ = 	snop  }
0x3c: {  	p2 =	seq.s32 s10, $0x1;
	s10 =	sld [smem:$0x3FB4]  }
0x3d: {  	_ =	shalt  }
0x3e: {  	_ =	shalt  }
0x3f: {  	_ =	shalt  }
0x40: {  	_ =	shalt  }
0x41: {  	_ =	shalt  }
0x42: {  	_ =	shalt  }
0x43: {  	_ =	shalt  }
0x44: {  	_ =	shalt  }
0x45: {  	_ =	shalt  }
0x46: {  	_ =	shalt  }
0x47: {  	_ =	shalt  }
0x48: {  	_ =	shalt  }
0x49: {  	_ =	shalt  }
0x4a: {  	_ =	shalt  }
0x4b: {  	_ =	shalt  }
0x4c: {  	_ =	shalt  }
0x4d: {  	_ =	shalt  }
0x4e: {  	_ =	shalt  }
0x4f: {  	_ =	shalt  }
0x50: {  	_ =	shalt  }
0x51: {  	_ =	shalt  }
0x52: {  	_ =	shalt  }
0x53: {  	_ =	shalt  }
0x54: {  	_ =	shalt  }
0x55: {  	_ =	shalt  }
0x56: {  	_ =	shalt  }
0x57: {  	_ =	shalt  }
0x58: {  	_ =	shalt  }
0x59: {  	_ =	shalt  }
0x5a: {  	_ =	shalt  }
0x5b: {  	_ =	shalt  }
0x5c: {  	_ =	shalt  }
0x5d: {  	_ =	shalt  }
0x5e: {  	_ =	shalt  }
0x5f: {  	_ =	shalt  }
0x60: {  	_ =	shalt  }
0x61: {  	_ =	shalt  }
0x62: {  	_ =	shalt  }
0x63: {  	_ =	shalt  }
0x64: {  	_ =	shalt  }
0x65: {  	_ =	shalt  }
0x66: {  	_ =	shalt  }
0x67: {  	_ =	shalt  }
0x68: {  	_ =	shalt  }
0x69: {  	_ =	shalt  }
0x6a: {  	_ =	shalt  }
0x6b: {  	_ =	shalt  }
0x6c: {  	_ =	shalt  }
0x6d: {  	_ =	shalt  }
0x6e: {  	_ =	shalt  }
0x6f: {  	_ =	shalt  }
0x70: {  	_ =	shalt  }
0x71: {  	_ =	shalt  }
0x72: {  	_ =	shalt  }
0x73: {  	_ =	shalt  }
0x74: {  	_ =	shalt  }
0x75: {  	_ =	shalt  }
0x76: {  	_ =	shalt  }
0x77: {  	_ =	shalt  }
0x78: {  	_ =	shalt  }
0x79: {  	_ =	shalt  }
0x7a: {  	_ =	shalt  }
0x7b: {  	_ =	shalt  }
0x7c: {  	_ =	shalt  }
0x7d: {  	_ =	shalt  }
0x7e: {  	_ =	shalt  }
0x7f: {  	_ =	shalt  }
0x80: {  	_ =	shalt  }
0x81: {  	_ =	shalt  }
0x82: {  	_ =	shalt  }
0x83: {  	_ =	shalt  }
0x84: {  	_ =	shalt  }
0x85: {  	_ =	shalt  }
0x86: {  	_ =	shalt  }
0x87: {  	_ =	shalt  }
.Lfunc_end0:
.L_simem_size_0:
called_computation.1_lowered:
.L_overlay_start_0:
0x88: {  	s2 =	sld [smem:$0x3FD9]  }
0x89: {  	s3 =	sld [smem:$0x3FFE];
	_ =	sdelay $0x1  }
0x8a: {  	s1 =	srdreg.scid  }
0x8b: {  	s0 =	sand.u32 $0x1, s1  }
0x8c: {  	s17 =	sshll.u32 s0, $0xA;
	s2 =	sadd.s32 s3, s2  }
0x8d: {  	s2 =	sadd.s32 s2, s17  }
0x8e: {  	[smem:$0x3FC0] =	sst s2  }
0x8f: {  	_ = 	snop  }
0x90: {  	s2 =	sld [smem:$0x3FD0];
	(tm) =	ssettm $0x1  }
0x91: {  	s18 =	sld [smem:$0x3FFB];
	_ =	sdelay $0x3  }
0x92: {  	_ =	strace s18  }
0x93: {  	s3 =	sld [smem:$0x3FFC];
	_ =	sdelay $0x3  }
0x94: {  	_ =	strace s3  }
0x95: {  	s3 =	sld [smem:$0x3FFD];
	_ =	sdelay $0x3  }
0x96: {  	_ =	strace s3  }
0x97: {  	_ =	strace $0x8FFFFFFF  }
0x98: {  	s19 =	sld [smem:$0x3FDB];
	_ =	sdelay $0x1  }
0x99: {  	s4 =	simm.s32 $_scs_section_size  }
0x9a: {  	s5 =	simm.s32 $_size__tile_overlayer_lowered;
	s6 =	simm.s32 $_tile_overlayer_lowered  }
0x9b: {  	s22 =	simm.s32 $0x1BFF;
	s21 =	sshll.u32 s6, $0x1;
	s3 =	sadd.s32 s4, s19  }
0x9c: {  	s7 =	simm.s32 $0x0;
	s20 =	sshll.u32 s5, $0x1;
	s5 =	sadd.s32 s21, s3  }
0x9d: {  	[timem:s7], [sflag:s22] =	dma.local [hbm:s5], s20  }
0x9e: {  	_ =	swait.ge [sflag:s22], s20  }
0x9f: {  	s4 =	ssub.s32 $0x0, s20;
	[sflag:s22] =	ssyncset.done $0x0  }
0xa0: {  	[sflag:s22] =	ssyncadd.s32 s4;
	_ =	sdelay $0x1  }
0xa1: {  	s23 =	simm.s32 $0x1B8B  }
0xa2: {  	_ =	swait.ge [sflag:s23], $0x1  }
0xa3: {  	[sflag:s23] =	ssyncset.done $0x0  }
0xa4: {  	s25 =	simm.s32 $0x1B8E;
	s24 =	sld [smem:$0x3FFE];
	[sflag:s23] =	ssyncadd.s32 $0xFFFFFFFF  }
0xa5: {  	s26 =	simm.s32 $execute0_lowered;
	[smem:$0x3FD2] =	sst s25  }
0xa6: {  	s5 =	sshll.u32 s26, $0x1;
	_ =	strace $0x80000049;
	[dreg:$0x1] =	wrdreg $0xFFFFFFFF  }
0xa7: {  	s28 =	simm.s32 $_size_execute0_lowered;
	s3 =	sadd.s32 s3, s5;
	[dreg:$0x0] =	wrdreg $0x0  }
0xa8: {  	s5 =	sshll.u32 s28, $0x1;
	[dreg:$0x2] =	wrdreg s3  }
0xa9: {  	[dreg:$0x3] =	wrdreg s5  }
0xaa: {  	[dreg:$0x4] =	wrdreg $0xC0  }
0xab: {  	_ =	task [dreg:s7], $0x5FFFF  }
0xac: {  	[dreg:$0x1] =	wrdreg $0xFFFFFFFF  }
0xad: {  	[dreg:$0x0] =	wrdreg $0x60  }
0xae: {  	[dreg:$0x2] =	wrdreg s24  }
0xaf: {  	[dreg:$0x3] =	wrdreg s2  }
0xb0: {  	[dreg:$0x4] =	wrdreg $0xF0000  }
0xb1: {  	[dreg:$0x5] =	wrdreg $0x9  }
0xb2: {  	_ =	task.clear_ibuf [dreg:s7], $0x6FFFF;
	_ =	strace $0x90000049  }
0xb3: {  	s29 =	simm.s32 $0x9;
	_ =	strace $0x8000004B  }
0xb4: {  	_ =	swait.ge [sflag:s29], $0x1  }
0xb5: {  	[sflag:s29] =	ssyncadd.s32 $0xFFFFFFFF  }
0xb6: {  	_ =	strace $0x9000004B  }
0xb7: {  	_ =	sfence  }
0xb8: {  	s30 =	sld [smem:$0x0];
	_ =	sdelay $0x2  }
0xb9: {  	s31 =	sshll.u32 s1, $0xD;
	s1 =	sshrl.u32 s1, $0x2  }
0xba: {  	s3 =	sand.u32 $0x4000, s31;
	s1 =	sadd.s32 s1, s30  }
0xbb: {  	s0 =	sor.u32 s3, s0;
	s1 =	sshll.u32 s1, $0x11  }
0xbc: {  	s0 =	sor.u32 s1, s0  }
0xbd: {  	s0 =	sadd.s32 $0x8F2B, s0  }
0xbe: {  	[sflag:s0] =	ssyncadd.remote.s32 $0x1  }
0xbf: {  	_ =	sfence.sel $0xFFFF  }
0xc0: {  	[dreg:$0x0] =	wrdreg $0xFFFFFFFF;
	(pc) =	sbr.abs _section_cstart, $3  }
0xc1: {  	[dreg:$0x1] =	wrdreg $0xFFFFFFFF  }
0xc2: {  	_ =	task.clear_ibuf [dreg:s7], $0x2FFFF;
	_ =	strace $0x9FFFFFFF  }
0xc3: {  	(tm) =	ssettm $0x7FFFFFFF  }
tec
execute0_lowered:
.L_overlay_start_1:
0x0: {  	(tag) =	ssettag $0x1  }
0x1: {  	s0 =	rddreg [dreg:$0x0]  }
0x2: {  	s1 =	rddreg [dreg:$0x1]  }
0x3: {  	s2 =	rddreg [dreg:$0x2];
	s4 =	simm.s32 $0x0;
	s3 =	srdreg.scid  }
0x4: {  	s9 =	stileid.u32;
	s21 =	simm.s32 $0x9;
	s22 =	simm.s32 $0x3800  }
0x5: {  	s28 =	simm.s32 $0xB000;
	s29 =	simm.s32 $0x2;
	s30 =	simm.s32 $0x6  }
0x6: {  	[smem:$0x7FF] =	sst s4;
	s3 =	sand.u32 $0x1, s3;
	s10 =	smul.u32 $0xA000, s9  }
0x7: {  	s11 =	sadd.s32 $0xB400, s0;
	s12 =	sadd.s32 $0x1400, s0;
	s15 =	smul.u32 $0x700, s9  }
0x8: {  	s0 =	sadd.s32 $0x15400, s0;
	s19 =	smul.u32 $0x1800, s9;
	_ =	strace $0x8000004A  }
0x9: {  	s5 =	ssub.s32 $0x2, s3;
	p0 =	seq.s32 s3, $0x1;
	s3 =	smul.u32 $0xA0000, s3  }
0xa: {  	s6 =	sshrl.u32 s5, $0x1;
	s14 =	sadd.s32 $0x2000, s10;
	s16 =	sadd.s32 $0x4000, s10  }
0xb: {  	s17 =	sadd.s32 $0x6000, s10;
	s18 =	sadd.s32 $0x8000, s10;
	s20 =	sadd.s32 s11, s15  }
0xc: {  	s15 =	sadd.s32 s12, s15;
	s23 =	sshrl.u32 s19, $0x3;
	s13 =	ssub.s32 s5, s6  }
0xd: {  	s5 =	sadd.s32 s10, s2;
	s6 =	sadd.s32 s14, s2;
	s7 =	sadd.s32 s16, s2  }
0xe: {  	s8 =	sadd.s32 s17, s2;
	s9 =	sadd.s32 s18, s2;
	[dreg:$0x4] =	wrdreg s20  }
0xf: {  	[dreg:$0x5] =	wrdreg s15;
	s15 =	sadd.s32 $0x7000, s23;
	s10 =	sadd.s32 s10, s3  }
0x10: {  	s14 =	sadd.s32 s3, s14;
	s26 =	sadd.s32 s3, s16;
	s31 =	sadd.s32 s3, s17  }
0x11: {  	s3 =	sadd.s32 s3, s18;
	s20 =	simm.s32 $0x7000;
	s23 =	simm.s32 $0x80  }
0x12: {  	s11 =	sadd.s32 s11, s15;
	s10 =	sshrl.u32 s10, $0x3;
	s24 =	sshrl.u32 s14, $0x3  }
0x13: {  	s12 =	sadd.s32 s12, s15;
	s3 =	sshrl.u32 s3, $0x3;
	[dreg:$0x6] =	wrdreg s11  }
0x14: {  	s19 =	smax.u32 s13, $0x1;
	s13 =	simm.s32 $0x4;
	[dreg:$0x7] =	wrdreg s12  }
0x15: {  	s10 =	sadd.s32 s0, s10;
	s25 =	sadd.s32 s0, s24;
	s11 =	sshrl.u32 s31, $0x3  }
.Ltmp0:
0x16: {  	s18 =	sadd.s32 s0, s3;
	s24 =	simm.s32 $0x9000;
	(pc) =	sbr.rel .LBB2_1-.Ltmp0, $4  }
0x17: {  	s3 =	simm.s32 $0x3;
	s12 =	simm.s32 $0x8;
	[dreg:$0x8] =	wrdreg s10  }
0x18: {  	[dreg:$0x9] =	wrdreg s25;
	s10 =	sshrl.u32 s26, $0x3;
	s17 =	sadd.s32 s0, s11  }
0x19: {  	s25 =	simm.s32 $0x1;
	s11 =	simm.s32 $0x5;
	s26 =	simm.s32 $0x0  }
0x1a: {  	v0 =	vimm.f32 $0.0e+00;
	s16 =	sadd.s32 s0, s10;
	s0 =	simm.s32 $0xD000;
	s10 =	simm.s32 $0x7  }
.LBB2_11:
0x1b: {  	s14 =	sadd.s32 $0xE00, s31  }
.LBB2_12:
0x1c: {  	_ =	swait.ge [sflag:s13], $0x2000  }
0x1d: {  	s14 =	sshra.s32 s14, $0x2;
	[sflag:s13] =	ssyncset.done $0x0  }
0x1e: {  	s14 =	sadd.s32 $0x3800, s14;
	[sflag:s13] =	ssyncadd.s32 $0xFFFFE000  }
0x1f: {  	[spmem:s2] =	stream.indirect.scatter.add.f32 [tilespmem:s0], [sflag:$0x8], $0x40, s14, s23, $0xb8;
	[tilespmem:$0x19000] =	vst v63  }
0x20: {  	_ =	swait.ge [sflag:s30], $0x2000  }
0x21: {  	[sflag:s30] =	ssyncset.done $0x0  }
0x22: {  	[sflag:s30] =	ssyncadd.s32 $0xFFFFE000  }
0x23: {  	_ =	swait.ge [sflag:s10], $0x2000  }
0x24: {  	[sflag:s10] =	ssyncset.done $0x0  }
0x25: {  	[sflag:s10] =	ssyncadd.s32 $0xFFFFE000  }
0x26: {  	_ =	swait.ge [sflag:s12], $0x2000  }
0x27: {  	[sflag:s12] =	ssyncset.done $0x0  }
0x28: {  	[sflag:s12] =	ssyncadd.s32 $0xFFFFE000  }
0x29: {  	[bflag:$0x0] =	sbarrier.arrive $0xFFFF  }
0x2a: {  	[tilespmem:s20], [sflag:$0x1] =	stream.linear.gather [spmem:s5], $0x2000, $0x38;
	[tilespmem:$0x19000] =	vst v63  }
0x2b: {  	_ = 	snop  }
0x2c: {  	[tilespmem:s24], [sflag:$0x2] =	stream.linear.gather [spmem:s6], $0x2000, $0x38;
	[tilespmem:$0x19000] =	vst v63  }
0x2d: {  	_ = 	snop  }
0x2e: {  	[tilespmem:s28], [sflag:$0x3] =	stream.linear.gather [spmem:s7], $0x2000, $0x38;
	[tilespmem:$0x19000] =	vst v63  }
0x2f: {  	_ = 	snop  }
0x30: {  	[tilespmem:s0], [sflag:$0x4] =	stream.linear.gather [spmem:s8], $0x2000, $0x38;
	[tilespmem:$0x19000] =	vst v63  }
0x31: {  	_ =	swait.ge [sflag:s25], $0x2000  }
0x32: {  	[sflag:s25] =	ssyncset.done $0x0  }
0x33: {  	s15 =	rddreg [dreg:$0x8];
	[sflag:s25] =	ssyncadd.s32 $0xFFFFE000  }
0x34: {  	[hbm4b:s15+s4] =	stream.linear.scatter [tilespmem:s20], [sflag:$0x5], $0x2000, $0x38;
	[tilespmem:$0x19000] =	vst v63  }
0x35: {  	_ =	swait.ge [sflag:s11], $0x2000  }
0x36: {  	[sflag:s11] =	ssyncset.done $0x0  }
0x37: {  	[sflag:s11] =	ssyncadd.s32 $0xFFFFE000  }
0x38: {  	[tilespmem:s20], [sflag:$0x1] =	stream.linear.gather [spmem:s9], $0x2000, $0x38;
	[tilespmem:$0x19000] =	vst v63  }
0x39: {  	_ =	swait.ge [sflag:s29], $0x2000  }
0x3a: {  	[sflag:s29] =	ssyncset.done $0x0  }
0x3b: {  	s31 =	rddreg [dreg:$0x9];
	[sflag:s29] =	ssyncadd.s32 $0xFFFFE000  }
0x3c: {  	[hbm4b:s31+s4] =	stream.linear.scatter [tilespmem:s24], [sflag:$0x6], $0x2000, $0x38;
	[tilespmem:$0x19000] =	vst v63  }
0x3d: {  	_ =	swait.ge [sflag:s3], $0x2000  }
0x3e: {  	[sflag:s3] =	ssyncset.done $0x0  }
0x3f: {  	[sflag:s3] =	ssyncadd.s32 $0xFFFFE000  }
0x40: {  	[hbm4b:s16+s4] =	stream.linear.scatter [tilespmem:s28], [sflag:$0x7], $0x2000, $0x38;
	[tilespmem:$0x19000] =	vst v63  }
0x41: {  	_ =	swait.ge [sflag:s13], $0x2000  }
0x42: {  	[sflag:s13] =	ssyncset.done $0x0  }
0x43: {  	[sflag:s13] =	ssyncadd.s32 $0xFFFFE000  }
0x44: {  	[hbm4b:s17+s4] =	stream.linear.scatter [tilespmem:s0], [sflag:$0x8], $0x2000, $0x38;
	[tilespmem:$0x19000] =	vst v63  }
0x45: {  	_ =	swait.ge [sflag:s25], $0x2000  }
0x46: {  	[sflag:s25] =	ssyncset.done $0x0  }
0x47: {  	[sflag:s25] =	ssyncadd.s32 $0xFFFFE000  }
0x48: {  	[hbm4b:s18+s4] =	stream.linear.scatter [tilespmem:s20], [sflag:$0x5], $0x2000, $0x38;
	[tilespmem:$0x19000] =	vst v63  }
0x49: {  	_ =	swait.ge [sflag:s30], $0x2000  }
0x4a: {  	[sflag:s30] =	ssyncset.done $0x0  }
0x4b: {  	[sflag:s30] =	ssyncadd.s32 $0xFFFFE000  }
0x4c: {  	_ =	swait.ge [sflag:s10], $0x2000  }
0x4d: {  	[sflag:s10] =	ssyncset.done $0x0  }
0x4e: {  	s26 =	sadd.s32 $0x1, s26;
	[sflag:s10] =	ssyncadd.s32 $0xFFFFE000  }
0x4f: {  	p1 =	sne.s32 s26, s19;
	_ =	swait.ge [sflag:s12], $0x2000  }
.Ltmp1:
0x50: {  	[sflag:s12] =	ssyncset.done $0x0;
	(pc) =	sbr.rel @!p1 .LBB2_13-.Ltmp1, $4  }
0x51: {  	[sflag:s12] =	ssyncadd.s32 $0xFFFFE000  }
0x52: {  	_ =	swait.ge [sflag:s11], $0x2000  }
0x53: {  	[sflag:s11] =	ssyncset.done $0x0  }
0x54: {  	[sflag:s11] =	ssyncadd.s32 $0xFFFFE000  }
.LBB2_1:
0x55: {  	s31 =	simm.s32 $0x100;
	s14 =	simm.s32 $0x0  }
.LBB2_2:
0x56: {  	p1 =	sne.s32 s31, $0x7F00;
	[tilespmem:s14+$0x7030] =	vst v0;
	s15 =	smov.u32 s31;
	s31 =	sadd.s32 $0x100, s31  }
.Ltmp2:
0x57: {  	[tilespmem:s14+$0x7020] =	vst v0;
	(pc) =	sbr.rel @p1 .LBB2_2-.Ltmp2, $3  }
0x58: {  	[tilespmem:s14+$0x7000] =	vst v0  }
0x59: {  	[tilespmem:s14+$0x7010] =	vst v0;
	_ =	sdelay $0x1  }
0x5a: {  	s14 =	sshra.s32 s15, $0x2  }
0x5b: {  	[tilespmem:s14+$0x7030] =	vst v0  }
0x5c: {  	[tilespmem:s14+$0x7020] =	vst v0  }
0x5d: {  	[tilespmem:s14+$0x7000] =	vst v0  }
0x5e: {  	[tilespmem:s14+$0x7010] =	vst v0  }
0x5f: {  	[spmem:s5] =	stream.linear.scatter [tilespmem:s20], [sflag:$0x9], $0x2000, $0x38;
	[tilespmem:$0x19000] =	vst v63  }
0x60: {  	_ =	swait.ge [sflag:s21], $0x2000  }
0x61: {  	[sflag:s21] =	ssyncset.done $0x0  }
0x62: {  	[sflag:s21] =	ssyncadd.s32 $0xFFFFE000  }
0x63: {  	[spmem:s6] =	stream.linear.scatter [tilespmem:s20], [sflag:$0x9], $0x2000, $0x38;
	[tilespmem:$0x19000] =	vst v63  }
0x64: {  	_ =	swait.ge [sflag:s21], $0x2000  }
0x65: {  	[sflag:s21] =	ssyncset.done $0x0  }
0x66: {  	[sflag:s21] =	ssyncadd.s32 $0xFFFFE000  }
0x67: {  	[spmem:s7] =	stream.linear.scatter [tilespmem:s20], [sflag:$0x9], $0x2000, $0x38;
	[tilespmem:$0x19000] =	vst v63  }
0x68: {  	_ =	swait.ge [sflag:s21], $0x2000  }
0x69: {  	[sflag:s21] =	ssyncset.done $0x0  }
0x6a: {  	[sflag:s21] =	ssyncadd.s32 $0xFFFFE000  }
0x6b: {  	[spmem:s8] =	stream.linear.scatter [tilespmem:s20], [sflag:$0x9], $0x2000, $0x38;
	[tilespmem:$0x19000] =	vst v63  }
0x6c: {  	_ =	swait.ge [sflag:s21], $0x2000  }
0x6d: {  	[sflag:s21] =	ssyncset.done $0x0  }
0x6e: {  	[sflag:s21] =	ssyncadd.s32 $0xFFFFE000  }
0x6f: {  	[spmem:s9] =	stream.linear.scatter [tilespmem:s20], [sflag:$0x9], $0x2000, $0x38;
	[tilespmem:$0x19000] =	vst v63  }
.Ltmp3:
0x70: {  	_ =	swait.ge [sflag:s21], $0x2000;
	(pc) =	sbr.rel @!p0 .LBB2_4-.Ltmp3, $4  }
0x71: {  	[sflag:s21] =	ssyncset.done $0x0  }
0x72: {  	[sflag:s21] =	ssyncadd.s32 $0xFFFFE000  }
0x73: {  	[bflag:$0x0] =	sbarrier.arrive $0xFFFF  }
0x74: {  	s31 =	simm.s32 $0x0  }
0x75: {  	s14 =	rddreg [dreg:$0x6]  }
0x76: {  	[tilespmem:s31], [sflag:$0x9] =	stream.linear.gather [hbm4b:s14+s31], $0x1800, $0x38;
	[tilespmem:$0x19000] =	vst v63  }
0x77: {  	_ =	swait.ge [sflag:s21], $0x1800  }
0x78: {  	[sflag:s21] =	ssyncset.done $0x0  }
0x79: {  	s15 =	rddreg [dreg:$0x7];
	[sflag:s21] =	ssyncadd.s32 $0xFFFFE800  }
0x7a: {  	[tilespmem:s22], [sflag:$0x9] =	stream.linear.gather [hbm4b:s15+s31], $0x1800, $0x38;
	[tilespmem:$0x19000] =	vst v63  }
0x7b: {  	_ =	swait.ge [sflag:s21], $0x1800  }
0x7c: {  	[sflag:s21] =	ssyncset.done $0x0  }
0x7d: {  	[sflag:s21] =	ssyncadd.s32 $0xFFFFE800  }
0x7e: {  	[tilespmem:s20], [sflag:$0x1] =	stream.indirect.gather [hbm4b:s1+s23], $0x40, s31, s23, $0xb8;
	[tilespmem:$0x19000] =	vst v63  }
0x7f: {  	_ = 	snop  }
0x80: {  	[tilespmem:s24], [sflag:$0x2] =	stream.indirect.gather [hbm4b:s1+s23], $0x40, s23, s23, $0xb8;
	[tilespmem:$0x19000] =	vst v63  }
0x81: {  	_ =	swait.ge [sflag:s25], $0x2000  }
0x82: {  	[sflag:s25] =	ssyncset.done $0x0  }
0x83: {  	[sflag:s25] =	ssyncadd.s32 $0xFFFFE000  }
0x84: {  	[spmem:s2] =	stream.indirect.scatter.add.f32 [tilespmem:s20], [sflag:$0x5], $0x40, s22, s23, $0xb8;
	[tilespmem:$0x19000] =	vst v63  }
0x85: {  	s15 =	simm.s32 $0x100  }
0x86: {  	[tilespmem:s28], [sflag:$0x3] =	stream.indirect.gather [hbm4b:s1+s23], $0x40, s15, s23, $0xb8;
	[tilespmem:$0x19000] =	vst v63  }
0x87: {  	_ =	swait.ge [sflag:s29], $0x2000  }
0x88: {  	[sflag:s29] =	ssyncset.done $0x0  }
0x89: {  	s15 =	simm.s32 $0x3880;
	[sflag:s29] =	ssyncadd.s32 $0xFFFFE000  }
0x8a: {  	[spmem:s2] =	stream.indirect.scatter.add.f32 [tilespmem:s24], [sflag:$0x6], $0x40, s15, s23, $0xb8;
	[tilespmem:$0x19000] =	vst v63  }
0x8b: {  	s15 =	simm.s32 $0x180  }
0x8c: {  	[tilespmem:s0], [sflag:$0x4] =	stream.indirect.gather [hbm4b:s1+s23], $0x40, s15, s23, $0xb8;
	[tilespmem:$0x19000] =	vst v63  }
0x8d: {  	_ =	swait.ge [sflag:s3], $0x2000  }
0x8e: {  	[sflag:s3] =	ssyncset.done $0x0  }
0x8f: {  	s15 =	simm.s32 $0x3900;
	[sflag:s3] =	ssyncadd.s32 $0xFFFFE000  }
0x90: {  	[spmem:s2] =	stream.indirect.scatter.add.f32 [tilespmem:s28], [sflag:$0x7], $0x40, s15, s23, $0xb8;
	[tilespmem:$0x19000] =	vst v63  }
0x91: {  	_ =	swait.ge [sflag:s11], $0x2000  }
0x92: {  	[sflag:s11] =	ssyncset.done $0x0  }
0x93: {  	s15 =	simm.s32 $0x200;
	[sflag:s11] =	ssyncadd.s32 $0xFFFFE000  }
0x94: {  	[tilespmem:s20], [sflag:$0x1] =	stream.indirect.gather [hbm4b:s1+s23], $0x40, s15, s23, $0xb8;
	[tilespmem:$0x19000] =	vst v63  }
0x95: {  	_ =	swait.ge [sflag:s13], $0x2000  }
0x96: {  	[sflag:s13] =	ssyncset.done $0x0  }
0x97: {  	s15 =	simm.s32 $0x3980;
	[sflag:s13] =	ssyncadd.s32 $0xFFFFE000  }
0x98: {  	[spmem:s2] =	stream.indirect.scatter.add.f32 [tilespmem:s0], [sflag:$0x8], $0x40, s15, s23, $0xb8;
	[tilespmem:$0x19000] =	vst v63  }
0x99: {  	_ =	swait.ge [sflag:s30], $0x2000  }
0x9a: {  	[sflag:s30] =	ssyncset.done $0x0  }
0x9b: {  	s15 =	simm.s32 $0x280;
	[sflag:s30] =	ssyncadd.s32 $0xFFFFE000  }
0x9c: {  	[tilespmem:s24], [sflag:$0x2] =	stream.indirect.gather [hbm4b:s1+s23], $0x40, s15, s23, $0xb8;
	[tilespmem:$0x19000] =	vst v63  }
.LBB2_8:
0x9d: {  	_ =	swait.ge [sflag:s25], $0x2000  }
0x9e: {  	s14 =	sshra.s32 s31, $0x2;
	[sflag:s25] =	ssyncset.done $0x0  }
0x9f: {  	s15 =	sadd.s32 $0x3A00, s14;
	[sflag:s25] =	ssyncadd.s32 $0xFFFFE000  }
0xa0: {  	[spmem:s2] =	stream.indirect.scatter.add.f32 [tilespmem:s20], [sflag:$0x5], $0x40, s15, s23, $0xb8;
	[tilespmem:$0x19000] =	vst v63  }
0xa1: {  	_ =	swait.ge [sflag:s10], $0x2000  }
0xa2: {  	[sflag:s10] =	ssyncset.done $0x0  }
0xa3: {  	s15 =	sadd.s32 $0x300, s14;
	[sflag:s10] =	ssyncadd.s32 $0xFFFFE000  }
0xa4: {  	[tilespmem:s28], [sflag:$0x3] =	stream.indirect.gather [hbm4b:s1+s23], $0x40, s15, s23, $0xb8;
	[tilespmem:$0x19000] =	vst v63  }
0xa5: {  	_ =	swait.ge [sflag:s29], $0x2000  }
0xa6: {  	[sflag:s29] =	ssyncset.done $0x0  }
0xa7: {  	s15 =	sadd.s32 $0x3A80, s14;
	[sflag:s29] =	ssyncadd.s32 $0xFFFFE000  }
0xa8: {  	[spmem:s2] =	stream.indirect.scatter.add.f32 [tilespmem:s24], [sflag:$0x6], $0x40, s15, s23, $0xb8;
	[tilespmem:$0x19000] =	vst v63  }
0xa9: {  	_ =	swait.ge [sflag:s12], $0x2000  }
0xaa: {  	[sflag:s12] =	ssyncset.done $0x0  }
0xab: {  	s15 =	sadd.s32 $0x380, s14;
	[sflag:s12] =	ssyncadd.s32 $0xFFFFE000  }
0xac: {  	[tilespmem:s0], [sflag:$0x4] =	stream.indirect.gather [hbm4b:s1+s23], $0x40, s15, s23, $0xb8;
	[tilespmem:$0x19000] =	vst v63  }
0xad: {  	_ =	swait.ge [sflag:s3], $0x2000  }
0xae: {  	p1 =	seq.s32 s31, $0x5000;
	[sflag:s3] =	ssyncset.done $0x0  }
.Ltmp4:
0xaf: {  	s15 =	sadd.s32 $0x3B00, s14;
	[sflag:s3] =	ssyncadd.s32 $0xFFFFE000;
	(pc) =	sbr.rel @p1 .LBB2_10-.Ltmp4, $4  }
0xb0: {  	[spmem:s2] =	stream.indirect.scatter.add.f32 [tilespmem:s28], [sflag:$0x7], $0x40, s15, s23, $0xb8;
	[tilespmem:$0x19000] =	vst v63  }
0xb1: {  	_ =	swait.ge [sflag:s11], $0x2000  }
0xb2: {  	[sflag:s11] =	ssyncset.done $0x0  }
0xb3: {  	[sflag:s11] =	ssyncadd.s32 $0xFFFFE000  }
0xb4: {  	s15 =	sadd.s32 $0x400, s14  }
0xb5: {  	[tilespmem:s20], [sflag:$0x1] =	stream.indirect.gather [hbm4b:s1+s23], $0x40, s15, s23, $0xb8;
	[tilespmem:$0x19000] =	vst v63  }
0xb6: {  	_ =	swait.ge [sflag:s13], $0x2000  }
0xb7: {  	[sflag:s13] =	ssyncset.done $0x0  }
0xb8: {  	s15 =	sadd.s32 $0x3B80, s14;
	[sflag:s13] =	ssyncadd.s32 $0xFFFFE000  }
0xb9: {  	[spmem:s2] =	stream.indirect.scatter.add.f32 [tilespmem:s0], [sflag:$0x8], $0x40, s15, s23, $0xb8;
	[tilespmem:$0x19000] =	vst v63  }
.Ltmp5:
0xba: {  	_ = 	snop;
	(pc) =	sbr.rel .LBB2_8-.Ltmp5, $4  }
0xbb: {  	_ =	swait.ge [sflag:s30], $0x2000  }
0xbc: {  	[sflag:s30] =	ssyncset.done $0x0  }
0xbd: {  	s31 =	sadd.s32 $0x800, s31;
	s15 =	sadd.s32 $0x480, s14;
	[sflag:s30] =	ssyncadd.s32 $0xFFFFE000  }
0xbe: {  	[tilespmem:s24], [sflag:$0x2] =	stream.indirect.gather [hbm4b:s1+s23], $0x40, s15, s23, $0xb8;
	[tilespmem:$0x19000] =	vst v63  }
.LBB2_4:
0xbf: {  	s14 =	rddreg [dreg:$0x4]  }
0xc0: {  	[tilespmem:s31], [sflag:$0x9] =	stream.linear.gather [hbm4b:s14+s31], $0x3800, $0x38;
	[tilespmem:$0x19000] =	vst v63  }
0xc1: {  	_ =	swait.ge [sflag:s21], $0x3800  }
0xc2: {  	[sflag:s21] =	ssyncset.done $0x0  }
0xc3: {  	s15 =	rddreg [dreg:$0x5];
	[sflag:s21] =	ssyncadd.s32 $0xFFFFC800  }
0xc4: {  	[tilespmem:s22], [sflag:$0x9] =	stream.linear.gather [hbm4b:s15+s31], $0x3800, $0x38;
	[tilespmem:$0x19000] =	vst v63  }
0xc5: {  	_ =	swait.ge [sflag:s21], $0x3800  }
0xc6: {  	[sflag:s21] =	ssyncset.done $0x0  }
0xc7: {  	[sflag:s21] =	ssyncadd.s32 $0xFFFFC800  }
0xc8: {  	[tilespmem:s20], [sflag:$0x1] =	stream.indirect.gather [hbm4b:s1+s23], $0x40, s31, s23, $0xb8;
	[tilespmem:$0x19000] =	vst v63  }
0xc9: {  	_ = 	snop  }
0xca: {  	[tilespmem:s24], [sflag:$0x2] =	stream.indirect.gather [hbm4b:s1+s23], $0x40, s23, s23, $0xb8;
	[tilespmem:$0x19000] =	vst v63  }
0xcb: {  	_ =	swait.ge [sflag:s25], $0x2000  }
0xcc: {  	[sflag:s25] =	ssyncset.done $0x0  }
0xcd: {  	[sflag:s25] =	ssyncadd.s32 $0xFFFFE000  }
0xce: {  	[spmem:s2] =	stream.indirect.scatter.add.f32 [tilespmem:s20], [sflag:$0x5], $0x40, s22, s23, $0xb8;
	[tilespmem:$0x19000] =	vst v63  }
0xcf: {  	s15 =	simm.s32 $0x100  }
0xd0: {  	[tilespmem:s28], [sflag:$0x3] =	stream.indirect.gather [hbm4b:s1+s23], $0x40, s15, s23, $0xb8;
	[tilespmem:$0x19000] =	vst v63  }
0xd1: {  	_ =	swait.ge [sflag:s29], $0x2000  }
0xd2: {  	[sflag:s29] =	ssyncset.done $0x0  }
0xd3: {  	s15 =	simm.s32 $0x3880;
	[sflag:s29] =	ssyncadd.s32 $0xFFFFE000  }
0xd4: {  	[spmem:s2] =	stream.indirect.scatter.add.f32 [tilespmem:s24], [sflag:$0x6], $0x40, s15, s23, $0xb8;
	[tilespmem:$0x19000] =	vst v63  }
0xd5: {  	s15 =	simm.s32 $0x180  }
0xd6: {  	[tilespmem:s0], [sflag:$0x4] =	stream.indirect.gather [hbm4b:s1+s23], $0x40, s15, s23, $0xb8;
	[tilespmem:$0x19000] =	vst v63  }
0xd7: {  	_ =	swait.ge [sflag:s3], $0x2000  }
0xd8: {  	[sflag:s3] =	ssyncset.done $0x0  }
0xd9: {  	s15 =	simm.s32 $0x3900;
	[sflag:s3] =	ssyncadd.s32 $0xFFFFE000  }
0xda: {  	[spmem:s2] =	stream.indirect.scatter.add.f32 [tilespmem:s28], [sflag:$0x7], $0x40, s15, s23, $0xb8;
	[tilespmem:$0x19000] =	vst v63  }
0xdb: {  	_ =	swait.ge [sflag:s11], $0x2000  }
0xdc: {  	[sflag:s11] =	ssyncset.done $0x0  }
0xdd: {  	s15 =	simm.s32 $0x200;
	[sflag:s11] =	ssyncadd.s32 $0xFFFFE000  }
0xde: {  	[tilespmem:s20], [sflag:$0x1] =	stream.indirect.gather [hbm4b:s1+s23], $0x40, s15, s23, $0xb8;
	[tilespmem:$0x19000] =	vst v63  }
0xdf: {  	_ =	swait.ge [sflag:s13], $0x2000  }
0xe0: {  	[sflag:s13] =	ssyncset.done $0x0  }
0xe1: {  	s15 =	simm.s32 $0x3980;
	[sflag:s13] =	ssyncadd.s32 $0xFFFFE000  }
0xe2: {  	[spmem:s2] =	stream.indirect.scatter.add.f32 [tilespmem:s0], [sflag:$0x8], $0x40, s15, s23, $0xb8;
	[tilespmem:$0x19000] =	vst v63  }
0xe3: {  	_ =	swait.ge [sflag:s30], $0x2000  }
0xe4: {  	[sflag:s30] =	ssyncset.done $0x0  }
0xe5: {  	s15 =	simm.s32 $0x280;
	[sflag:s30] =	ssyncadd.s32 $0xFFFFE000  }
0xe6: {  	[tilespmem:s24], [sflag:$0x2] =	stream.indirect.gather [hbm4b:s1+s23], $0x40, s15, s23, $0xb8;
	[tilespmem:$0x19000] =	vst v63  }
.LBB2_5:
0xe7: {  	_ =	swait.ge [sflag:s25], $0x2000  }
0xe8: {  	s14 =	sshra.s32 s31, $0x2;
	[sflag:s25] =	ssyncset.done $0x0  }
0xe9: {  	s15 =	sadd.s32 $0x3A00, s14;
	[sflag:s25] =	ssyncadd.s32 $0xFFFFE000  }
0xea: {  	[spmem:s2] =	stream.indirect.scatter.add.f32 [tilespmem:s20], [sflag:$0x5], $0x40, s15, s23, $0xb8;
	[tilespmem:$0x19000] =	vst v63  }
0xeb: {  	_ =	swait.ge [sflag:s10], $0x2000  }
0xec: {  	[sflag:s10] =	ssyncset.done $0x0  }
0xed: {  	s15 =	sadd.s32 $0x300, s14;
	[sflag:s10] =	ssyncadd.s32 $0xFFFFE000  }
0xee: {  	[tilespmem:s28], [sflag:$0x3] =	stream.indirect.gather [hbm4b:s1+s23], $0x40, s15, s23, $0xb8;
	[tilespmem:$0x19000] =	vst v63  }
0xef: {  	_ =	swait.ge [sflag:s29], $0x2000  }
0xf0: {  	[sflag:s29] =	ssyncset.done $0x0  }
0xf1: {  	s15 =	sadd.s32 $0x3A80, s14;
	[sflag:s29] =	ssyncadd.s32 $0xFFFFE000  }
0xf2: {  	[spmem:s2] =	stream.indirect.scatter.add.f32 [tilespmem:s24], [sflag:$0x6], $0x40, s15, s23, $0xb8;
	[tilespmem:$0x19000] =	vst v63  }
0xf3: {  	_ =	swait.ge [sflag:s12], $0x2000  }
0xf4: {  	[sflag:s12] =	ssyncset.done $0x0  }
0xf5: {  	s15 =	sadd.s32 $0x380, s14;
	[sflag:s12] =	ssyncadd.s32 $0xFFFFE000  }
0xf6: {  	[tilespmem:s0], [sflag:$0x4] =	stream.indirect.gather [hbm4b:s1+s23], $0x40, s15, s23, $0xb8;
	[tilespmem:$0x19000] =	vst v63  }
0xf7: {  	_ =	swait.ge [sflag:s3], $0x2000  }
0xf8: {  	p1 =	seq.s32 s31, $0xD000;
	[sflag:s3] =	ssyncset.done $0x0  }
.Ltmp6:
0xf9: {  	s15 =	sadd.s32 $0x3B00, s14;
	[sflag:s3] =	ssyncadd.s32 $0xFFFFE000;
	(pc) =	sbr.rel @p1 .LBB2_11-.Ltmp6, $4  }
0xfa: {  	[spmem:s2] =	stream.indirect.scatter.add.f32 [tilespmem:s28], [sflag:$0x7], $0x40, s15, s23, $0xb8;
	[tilespmem:$0x19000] =	vst v63  }
0xfb: {  	_ =	swait.ge [sflag:s11], $0x2000  }
0xfc: {  	[sflag:s11] =	ssyncset.done $0x0  }
0xfd: {  	[sflag:s11] =	ssyncadd.s32 $0xFFFFE000  }
0xfe: {  	s15 =	sadd.s32 $0x400, s14  }
0xff: {  	[tilespmem:s20], [sflag:$0x1] =	stream.indirect.gather [hbm4b:s1+s23], $0x40, s15, s23, $0xb8;
	[tilespmem:$0x19000] =	vst v63  }
0x100: {  	_ =	swait.ge [sflag:s13], $0x2000  }
0x101: {  	[sflag:s13] =	ssyncset.done $0x0  }
0x102: {  	s15 =	sadd.s32 $0x3B80, s14;
	[sflag:s13] =	ssyncadd.s32 $0xFFFFE000  }
0x103: {  	[spmem:s2] =	stream.indirect.scatter.add.f32 [tilespmem:s0], [sflag:$0x8], $0x40, s15, s23, $0xb8;
	[tilespmem:$0x19000] =	vst v63  }
.Ltmp7:
0x104: {  	_ = 	snop;
	(pc) =	sbr.rel .LBB2_5-.Ltmp7, $4  }
0x105: {  	_ =	swait.ge [sflag:s30], $0x2000  }
0x106: {  	[sflag:s30] =	ssyncset.done $0x0  }
0x107: {  	s31 =	sadd.s32 $0x800, s31;
	s15 =	sadd.s32 $0x480, s14;
	[sflag:s30] =	ssyncadd.s32 $0xFFFFE000  }
0x108: {  	[tilespmem:s24], [sflag:$0x2] =	stream.indirect.gather [hbm4b:s1+s23], $0x40, s15, s23, $0xb8;
	[tilespmem:$0x19000] =	vst v63  }
.LBB2_10:
.Ltmp8:
0x109: {  	(pc) =	sbr.rel .LBB2_12-.Ltmp8, $2  }
0x10a: {  	_ =	sdelay $0x2  }
0x10b: {  	s14 =	sadd.s32 $0xE00, s31  }
.LBB2_13:
0x10c: {  	_ =	sfence.sel $0x180000  }
0x10d: {  	[bflag:$0x0] =	sbarrier.arrive $0xFFFF  }
0x10e: {  	_ =	strace $0x9000004A  }
0x10f: {  	s0 =	stileid.u32;
	[bflag:$0x2] =	sbarrier.arrive $0xFFFF  }
0x110: {  	p0 =	sne.s32 s0, $0x0;
	s0 =	rddreg [dreg:$0x3]  }
0x111: {  	s0 =	sadd.s32 @!p0 $0x100000, s0  }
0x112: {  	[sflag:s0] =	ssyncadd.tile.s32 @!p0 $0x1;
	_ =	shalt  }
.Lfunc_end2:
_tile_overlayer_lowered:
.L_overlay_start_2:
0x113: {  	(tag) =	ssettag $0x2  }
0x114: {  	s0 =	rddreg [dreg:$0x0];
	s2 =	stileid.u32  }
0x115: {  	s1 =	rddreg [dreg:$0x1];
	p0 =	sne.s32 s2, $0x0  }
0x116: {  	s3 =	rddreg [dreg:$0x2];
	[bflag:$0x3] =	sbarrier.arrive $0xFFFF;
	s2 =	simm.s32 @!p0 $0x1C09  }
0x117: {  	[timem:s3], [sflag:s2] =	dma.local @!p0 [hbm:s0], s1  }
0x118: {  	s0 =	simm.s32 @!p0 $0x9  }
0x119: {  	_ =	swait.ge @!p0 [sflag:s0], s1  }
0x11a: {  	s1 =	ssub.s32 @!p0 $0x0, s1;
	[sflag:s0] =	ssyncset.done @!p0 $0x0  }
0x11b: {  	[sflag:s0] =	ssyncadd.s32 @!p0 s1  }
0x11c: {  	[bflag:$0x3] =	sbarrier.arrive $0xFFFF  }
0x11d: {  	_ =	shalt  }

// kernel: kernel.7.cloned.1.call-start
scs
__scs_entry_jumppad:
0x0: {  	(pc) =	sbr.rel $0x88, $3  }
0x1: {  	(tag) =	ssettag $0x0;
	lr =	simm.s32 $0x1  }
0x2: {  	[smem:$0x3F99] =	sst lr;
	_ =	strace $0xD0000000  }
0x3: {  	_ = 	snop  }
0x4: {  	_ = 	snop  }
0x5: {  	_ = 	snop  }
0x6: {  	_ = 	snop  }
0x7: {  	_ = 	snop  }
__scs_overlays_trampoline_lowered:
0x8: {  	[smem:$0x3FA8] =	sst s0  }
0x9: {  	[smem:$0x3FA9] =	sst s1  }
0xa: {  	[smem:$0x3FAA] =	sst s2  }
0xb: {  	[smem:$0x3FAB] =	sst s3  }
0xc: {  	[smem:$0x3FAC] =	sst s4  }
0xd: {  	[smem:$0x3FAD] =	sst s5  }
0xe: {  	[smem:$0x3FAE] =	sst s6  }
0xf: {  	[smem:$0x3FAF] =	sst s7  }
0x10: {  	[smem:$0x3FB0] =	sst s8  }
0x11: {  	[smem:$0x3FB1] =	sst s9;
	s0 =	simm.s32 @!p0 $0x0  }
0x12: {  	s1 =	sld [smem:$0x3F97];
	s0 =	simm.s32 @p0 $0x1  }
0x13: {  	[smem:$0x3FB2] =	sst s0;
	s0 =	simm.s32 @!p1 $0x0  }
0x14: {  	s2 =	sld [smem:$0x3F96];
	s0 =	simm.s32 @p1 $0x1  }
0x15: {  	[smem:$0x3FB3] =	sst s0;
	s0 =	simm.s32 @!p2 $0x0  }
0x16: {  	s3 =	sld [smem:$0x3FDB];
	s0 =	simm.s32 @p2 $0x1  }
0x17: {  	s4 =	simm.s32 $0x1BF5;
	[smem:$0x3FB5] =	sst s0  }
0x18: {  	s0 =	sld [smem:$0x3F98];
	_ =	swait.ge [sflag:s4], $0x0  }
0x19: {  	s7 =	sld [smem:$0x3F99]  }
0x1a: {  	s8 =	sadd.s32 $0xFFFFE003, lr  }
0x1b: {  	s9 =	sadd.s32 $0xFFFFFEF7, lr;
	s5 =	simm.s32 $0xFFFFFFFF;
	p2 =	slt.u32 s8, $0xFFFFF086  }
0x1c: {  	p1 =	slt.u32 s9, $0xF7A;
	s5 =	simm.s32 @!p2 $0x0  }
0x1d: {  	s5 =	simm.s32 @p1 $0x1;
	p0 =	seq.s32 s7, s2  }
0x1e: {  	s7 =	smul.u32 @!p0 $0xF7A, s2;
	p2 =	seq.s32 @!p0 s5, $0x0  }
0x1f: {  	s9 =	smul.u32 $0xF7A, s1;
	s8 =	simm.s32 @!p0 $0x1BF5;
	p2 =	por !p2, p0  }
0x20: {  	[sflag:s8] =	ssyncset.s32 @!p0 $0xFFFFF086;
	s6 =	sadd.s32 @!p0 s3, s7;
	s7 =	simm.s32 @!p0 $0x108  }
0x21: {  	s3 =	sadd.s32 s3, s9;
	s6 =	sadd.s32 @!p0 $0x88, s6;
	s7 =	simm.s32 @p2 $0x1082  }
0x22: {  	[simem:s7], [sflag:s8] =	dma.local @!p0 [hbm:s6], $0xF7A  }
0x23: {  	s9 =	sor.u32 $0xD0000000, s2;
	s6 =	simm.s32 $0x108;
	_ =	swait.ge @!p0 [sflag:s8], $0x0  }
0x24: {  	s3 =	sadd.s32 $0x88, s3;
	s6 =	simm.s32 @!p1 $0x1082;
	[sflag:s4] =	ssyncset.s32 $0xFFFFF086  }
0x25: {  	[simem:s6], [sflag:s4] =	dma.local [hbm:s3], $0xF7A  }
0x26: {  	[smem:$0x3F99] =	sst s1;
	(tag) =	ssettag s2;
	_ =	strace s9  }
0x27: {  	s1 =	sld [smem:$0x3FA9]  }
0x28: {  	s2 =	sld [smem:$0x3FAA]  }
0x29: {  	s4 =	sld [smem:$0x3FAC]  }
0x2a: {  	p0 =	seq.s32 s5, $0x0;
	s5 =	sld [smem:$0x3FAD]  }
0x2b: {  	s6 =	sld [smem:$0x3FAE]  }
0x2c: {  	s7 =	sld [smem:$0x3FAF]  }
0x2d: {  	s3 =	simm.s32 $0x108;
	s8 =	sld [smem:$0x3FB0]  }
0x2e: {  	s3 =	simm.s32 @!p0 $0x1082;
	s9 =	sld [smem:$0x3FB1]  }
0x2f: {  	lr =	sadd.s32 s0, s3;
	s0 =	sld [smem:$0x3FA8]  }
0x30: {  	s3 =	sld [smem:$0x3FAB]  }
0x31: {  	[smem:$0x3FB4] =	sst s10  }
0x32: {  	s10 =	sld [smem:$0x3FB2];
	_ =	sdelay $0x3  }
0x33: {  	p0 =	seq.s32 s10, $0x1;
	s10 =	sld [smem:$0x3FB4];
	_ =	sdelay $0x3  }
0x34: {  	[smem:$0x3FB4] =	sst s10  }
0x35: {  	s10 =	sld [smem:$0x3FB3];
	_ =	sdelay $0x3  }
0x36: {  	p1 =	seq.s32 s10, $0x1;
	s10 =	sld [smem:$0x3FB4];
	_ =	sdelay $0x3  }
0x37: {  	[smem:$0x3FB4] =	sst s10  }
0x38: {  	s10 =	sld [smem:$0x3FB5]  }
0x39: {  	_ = 	snop;
	(pc) =	sbr.ind lr, $3  }
0x3a: {  	_ = 	snop  }
0x3b: {  	_ = 	snop  }
0x3c: {  	p2 =	seq.s32 s10, $0x1;
	s10 =	sld [smem:$0x3FB4]  }
0x3d: {  	_ =	shalt  }
0x3e: {  	_ =	shalt  }
0x3f: {  	_ =	shalt  }
0x40: {  	_ =	shalt  }
0x41: {  	_ =	shalt  }
0x42: {  	_ =	shalt  }
0x43: {  	_ =	shalt  }
0x44: {  	_ =	shalt  }
0x45: {  	_ =	shalt  }
0x46: {  	_ =	shalt  }
0x47: {  	_ =	shalt  }
0x48: {  	_ =	shalt  }
0x49: {  	_ =	shalt  }
0x4a: {  	_ =	shalt  }
0x4b: {  	_ =	shalt  }
0x4c: {  	_ =	shalt  }
0x4d: {  	_ =	shalt  }
0x4e: {  	_ =	shalt  }
0x4f: {  	_ =	shalt  }
0x50: {  	_ =	shalt  }
0x51: {  	_ =	shalt  }
0x52: {  	_ =	shalt  }
0x53: {  	_ =	shalt  }
0x54: {  	_ =	shalt  }
0x55: {  	_ =	shalt  }
0x56: {  	_ =	shalt  }
0x57: {  	_ =	shalt  }
0x58: {  	_ =	shalt  }
0x59: {  	_ =	shalt  }
0x5a: {  	_ =	shalt  }
0x5b: {  	_ =	shalt  }
0x5c: {  	_ =	shalt  }
0x5d: {  	_ =	shalt  }
0x5e: {  	_ =	shalt  }
0x5f: {  	_ =	shalt  }
0x60: {  	_ =	shalt  }
0x61: {  	_ =	shalt  }
0x62: {  	_ =	shalt  }
0x63: {  	_ =	shalt  }
0x64: {  	_ =	shalt  }
0x65: {  	_ =	shalt  }
0x66: {  	_ =	shalt  }
0x67: {  	_ =	shalt  }
0x68: {  	_ =	shalt  }
0x69: {  	_ =	shalt  }
0x6a: {  	_ =	shalt  }
0x6b: {  	_ =	shalt  }
0x6c: {  	_ =	shalt  }
0x6d: {  	_ =	shalt  }
0x6e: {  	_ =	shalt  }
0x6f: {  	_ =	shalt  }
0x70: {  	_ =	shalt  }
0x71: {  	_ =	shalt  }
0x72: {  	_ =	shalt  }
0x73: {  	_ =	shalt  }
0x74: {  	_ =	shalt  }
0x75: {  	_ =	shalt  }
0x76: {  	_ =	shalt  }
0x77: {  	_ =	shalt  }
0x78: {  	_ =	shalt  }
0x79: {  	_ =	shalt  }
0x7a: {  	_ =	shalt  }
0x7b: {  	_ =	shalt  }
0x7c: {  	_ =	shalt  }
0x7d: {  	_ =	shalt  }
0x7e: {  	_ =	shalt  }
0x7f: {  	_ =	shalt  }
0x80: {  	_ =	shalt  }
0x81: {  	_ =	shalt  }
0x82: {  	_ =	shalt  }
0x83: {  	_ =	shalt  }
0x84: {  	_ =	shalt  }
0x85: {  	_ =	shalt  }
0x86: {  	_ =	shalt  }
0x87: {  	_ =	shalt  }
.Lfunc_end0:
.L_simem_size_0:
called_computation_lowered:
.L_overlay_start_0:
0x88: {  	s2 =	sld [smem:$0x3FD9]  }
0x89: {  	s3 =	sld [smem:$0x3FFE];
	_ =	sdelay $0x1  }
0x8a: {  	s1 =	srdreg.scid  }
0x8b: {  	s0 =	sand.u32 $0x1, s1  }
0x8c: {  	s17 =	sshll.u32 s0, $0xA;
	s2 =	sadd.s32 s3, s2  }
0x8d: {  	s2 =	sadd.s32 s2, s17  }
0x8e: {  	[smem:$0x3FC0] =	sst s2  }
0x8f: {  	_ = 	snop  }
0x90: {  	s2 =	sld [smem:$0x3FD0];
	(tm) =	ssettm $0x1  }
0x91: {  	s18 =	sld [smem:$0x3FFB];
	_ =	sdelay $0x3  }
0x92: {  	_ =	strace s18  }
0x93: {  	s3 =	sld [smem:$0x3FFC];
	_ =	sdelay $0x3  }
0x94: {  	_ =	strace s3  }
0x95: {  	s3 =	sld [smem:$0x3FFD];
	_ =	sdelay $0x3  }
0x96: {  	_ =	strace s3  }
0x97: {  	_ =	strace $0x8FFFFFFF  }
0x98: {  	s19 =	sld [smem:$0x3FDB];
	_ =	sdelay $0x1  }
0x99: {  	s4 =	simm.s32 $_scs_section_size  }
0x9a: {  	s5 =	simm.s32 $_size__tile_overlayer_lowered;
	s6 =	simm.s32 $_tile_overlayer_lowered  }
0x9b: {  	s22 =	simm.s32 $0x1BFF;
	s21 =	sshll.u32 s6, $0x1;
	s3 =	sadd.s32 s4, s19  }
0x9c: {  	s7 =	simm.s32 $0x0;
	s20 =	sshll.u32 s5, $0x1;
	s5 =	sadd.s32 s21, s3  }
0x9d: {  	[timem:s7], [sflag:s22] =	dma.local [hbm:s5], s20  }
0x9e: {  	_ =	swait.ge [sflag:s22], s20  }
0x9f: {  	s4 =	ssub.s32 $0x0, s20;
	[sflag:s22] =	ssyncset.done $0x0  }
0xa0: {  	[sflag:s22] =	ssyncadd.s32 s4;
	_ =	sdelay $0x1  }
0xa1: {  	s23 =	simm.s32 $0x1B8B  }
0xa2: {  	_ =	swait.ge [sflag:s23], $0x1  }
0xa3: {  	[sflag:s23] =	ssyncset.done $0x0  }
0xa4: {  	s25 =	simm.s32 $0x1B8E;
	s24 =	sld [smem:$0x3FFE];
	[sflag:s23] =	ssyncadd.s32 $0xFFFFFFFF  }
0xa5: {  	s26 =	simm.s32 $execute0_lowered;
	[smem:$0x3FD2] =	sst s25  }
0xa6: {  	s5 =	sshll.u32 s26, $0x1;
	_ =	strace $0x80000046;
	[dreg:$0x1] =	wrdreg $0xFFFFFFFF  }
0xa7: {  	s28 =	simm.s32 $_size_execute0_lowered;
	s3 =	sadd.s32 s3, s5;
	[dreg:$0x0] =	wrdreg $0x0  }
0xa8: {  	s5 =	sshll.u32 s28, $0x1;
	[dreg:$0x2] =	wrdreg s3  }
0xa9: {  	[dreg:$0x3] =	wrdreg s5  }
0xaa: {  	[dreg:$0x4] =	wrdreg $0xC0  }
0xab: {  	_ =	task [dreg:s7], $0x5FFFF  }
0xac: {  	[dreg:$0x1] =	wrdreg $0xFFFFFFFF  }
0xad: {  	[dreg:$0x0] =	wrdreg $0x60  }
0xae: {  	[dreg:$0x2] =	wrdreg s24  }
0xaf: {  	[dreg:$0x3] =	wrdreg s2  }
0xb0: {  	[dreg:$0x4] =	wrdreg $0x9  }
0xb1: {  	_ =	task.clear_ibuf [dreg:s7], $0x5FFFF;
	_ =	strace $0x90000046  }
0xb2: {  	s29 =	simm.s32 $0x9;
	_ =	strace $0x80000048  }
0xb3: {  	_ =	swait.ge [sflag:s29], $0x1  }
0xb4: {  	[sflag:s29] =	ssyncadd.s32 $0xFFFFFFFF  }
0xb5: {  	_ =	strace $0x90000048  }
0xb6: {  	_ =	sfence  }
0xb7: {  	s30 =	sld [smem:$0x0];
	_ =	sdelay $0x2  }
0xb8: {  	s31 =	sshll.u32 s1, $0xD;
	s1 =	sshrl.u32 s1, $0x2  }
0xb9: {  	s3 =	sand.u32 $0x4000, s31;
	s1 =	sadd.s32 s1, s30  }
0xba: {  	s0 =	sor.u32 s3, s0;
	s1 =	sshll.u32 s1, $0x11  }
0xbb: {  	s0 =	sor.u32 s1, s0  }
0xbc: {  	s0 =	sadd.s32 $0x8F2B, s0  }
0xbd: {  	[sflag:s0] =	ssyncadd.remote.s32 $0x1  }
0xbe: {  	_ =	sfence.sel $0xFFFF  }
0xbf: {  	[dreg:$0x0] =	wrdreg $0xFFFFFFFF;
	(pc) =	sbr.abs _section_cstart, $3  }
0xc0: {  	[dreg:$0x1] =	wrdreg $0xFFFFFFFF  }
0xc1: {  	_ =	task.clear_ibuf [dreg:s7], $0x2FFFF;
	_ =	strace $0x9FFFFFFF  }
0xc2: {  	(tm) =	ssettm $0x7FFFFFFF  }
0xc3: {  	_ =	shalt  }
tec
execute0_lowered:
.L_overlay_start_1:
0x0: {  	(tag) =	ssettag $0x1  }
0x1: {  	s0 =	srdreg.scid;
	s3 =	rddreg [dreg:$0x0]  }
0x2: {  	s5 =	rddreg [dreg:$0x1];
	s4 =	sand.u32 $0x1, s0  }
0x3: {  	s1 =	stileid.u32;
	s8 =	simm.s32 $0x0;
	s2 =	sshll.u32 s4, $0x4  }
0x4: {  	s4 =	ssub.s32 $0x2, s4;
	s6 =	sor.u32 s1, s2;
	s2 =	simm.s32 $0x0  }
0x5: {  	s7 =	sshrl.u32 s4, $0x1;
	s6 =	smul.u32 $0x500, s6;
	[smem:$0x7FF] =	sst s2  }
0x6: {  	s0 =	rddreg [dreg:$0x2];
	s7 =	ssub.s32 s4, s7;
	_ =	strace $0x80000047  }
0x7: {  	s3 =	sadd.s32 s6, s3;
	s4 =	sadd.s32 s5, s6;
	s5 =	smax.u32 s7, $0x1  }
0x8: {  	v0 =	vimm.f32 $0.0e+00;
	v1 =	vimm.f32 $1.000000000e+00;
	s6 =	simm.s32 $0x1;
	s7 =	simm.s32 $0x2800;
	s3 =	sadd.s32 $0x1400, s3  }
.LBB2_1:
0x9: {  	[tilespmem:s2], [sflag:$0x1] =	stream.linear.gather [hbm4b:s3+s2], $0x2800, $0x38;
	[tilespmem:$0x5000] =	vst v63  }
0xa: {  	_ =	swait.ge [sflag:s6], $0x2800  }
0xb: {  	[sflag:s6] =	ssyncset.done $0x0  }
0xc: {  	s9 =	simm.s32 $0x0;
	[sflag:s6] =	ssyncadd.s32 $0xFFFFD800  }
.LBB2_2:
0xd: {  	p0 =	sne.s32 s9, $0x9FC0  }
.Ltmp0:
0xe: {  	_ = 	snop;
	(pc) =	sbr.rel @p0 .LBB2_2-.Ltmp0, $3  }
0xf: {  	_ =	sdelay $0x1  }
0x10: {  	s10 =	sshra.s32 s9, $0x2  }
0x11: {  	s9 =	sadd.s32 $0x40, s9;
	[tilespmem:s10+$0x2800] =	vst v0  }
0x12: {  	s9 =	simm.s32 $0x1C0  }
.LBB2_4:
0x13: {  	s10 =	sshra.s32 s9, $0x2  }
0x14: {  	v2 =	vld [tilespmem:s10+$0xFFFFFF90];
	_ =	sdelay $0x7  }
0x15: {  	[tilespmem:v2+s7+$0x0] =	vst.idx.add.f32.msk $0xffff, v1  }
0x16: {  	v2 =	vld [tilespmem:s10+$0xFFFFFFA0];
	_ =	sdelay $0x7  }
0x17: {  	[tilespmem:v2+s7+$0x0] =	vst.idx.add.f32.msk $0xffff, v1  }
0x18: {  	v2 =	vld [tilespmem:s10+$0xFFFFFFB0];
	_ =	sdelay $0x7  }
0x19: {  	[tilespmem:v2+s7+$0x0] =	vst.idx.add.f32.msk $0xffff, v1  }
0x1a: {  	v2 =	vld [tilespmem:s10+$0xFFFFFFC0];
	_ =	sdelay $0x7  }
0x1b: {  	[tilespmem:v2+s7+$0x0] =	vst.idx.add.f32.msk $0xffff, v1  }
0x1c: {  	v2 =	vld [tilespmem:s10+$0xFFFFFFD0];
	_ =	sdelay $0x7  }
0x1d: {  	[tilespmem:v2+s7+$0x0] =	vst.idx.add.f32.msk $0xffff, v1  }
0x1e: {  	v2 =	vld [tilespmem:s10+$0xFFFFFFE0];
	_ =	sdelay $0x7  }
0x1f: {  	[tilespmem:v2+s7+$0x0] =	vst.idx.add.f32.msk $0xffff, v1  }
0x20: {  	v2 =	vld [tilespmem:s10+$0xFFFFFFF0];
	_ =	sdelay $0x7  }
0x21: {  	[tilespmem:v2+s7+$0x0] =	vst.idx.add.f32.msk $0xffff, v1  }
0x22: {  	v2 =	vld [tilespmem:s10+$0x0];
	_ =	sdelay $0x2  }
0x23: {  	p0 =	sne.s32 s9, $0x9FC0  }
.Ltmp1:
0x24: {  	_ = 	snop;
	(pc) =	sbr.rel @p0 .LBB2_4-.Ltmp1, $2  }
0x25: {  	_ =	sdelay $0x2  }
0x26: {  	s9 =	sadd.s32 $0x200, s9;
	[tilespmem:v2+s7+$0x0] =	vst.idx.add.f32.msk $0xffff, v1  }
0x27: {  	s8 =	sadd.s32 $0x1, s8  }
0x28: {  	p0 =	sne.s32 s8, s5  }
.Ltmp2:
0x29: {  	_ = 	snop;
	(pc) =	sbr.rel @p0 .LBB2_1-.Ltmp2, $4  }
0x2a: {  	[hbm4b:s4+s2] =	stream.linear.scatter [tilespmem:s7], [sflag:$0x1], $0x2800, $0x38;
	[tilespmem:$0x5000] =	vst v63  }
0x2b: {  	_ =	swait.ge [sflag:s6], $0x2800  }
0x2c: {  	[sflag:s6] =	ssyncset.done $0x0  }
0x2d: {  	[sflag:s6] =	ssyncadd.s32 $0xFFFFD800  }
0x2e: {  	_ =	sfence.sel $0x180000  }
0x2f: {  	[bflag:$0x0] =	sbarrier.arrive $0xFFFF  }
0x30: {  	p0 =	sne.s32 s1, $0x0;
	_ =	strace $0x90000047  }
0x31: {  	s0 =	sadd.s32 @!p0 $0x100000, s0;
	[bflag:$0x2] =	sbarrier.arrive $0xFFFF  }
0x32: {  	[sflag:s0] =	ssyncadd.tile.s32 @!p0 $0x1;
	_ =	shalt  }
.Lfunc_end2:
_tile_overlayer_lowered:
.L_overlay_start_2:
0x33: {  	(tag) =	ssettag $0x2  }
0x34: {  	s0 =	rddreg [dreg:$0x0];
	s2 =	stileid.u32  }
0x35: {  	s1 =	rddreg [dreg:$0x1];
	p0 =	sne.s32 s2, $0x0  }
0x36: {  	s3 =	rddreg [dreg:$0x2];
	[bflag:$0x3] =	sbarrier.arrive $0xFFFF;
	s2 =	simm.s32 @!p0 $0x1C01  }
0x37: {  	[timem:s3], [sflag:s2] =	dma.local @!p0 [hbm:s0], s1  }
0x38: {  	s0 =	simm.s32 @!p0 $0x1  }
0x39: {  	_ =	swait.ge @!p0 [sflag:s0], s1  }
0x3a: {  	s1 =	ssub.s32 @!p0 $0x0, s1;
	[sflag:s0] =	ssyncset.done @!p0 $0x0  }
0x3b: {  	[sflag:s0] =	ssyncadd.s32 @!p0 s1  }
0x3c: {  	[bflag:$0x3] =	sbarrier.arrive $0xFFFF  }
0x3d: {  	_ =	shalt  }

</sc_bundles>
